<compile_context>
chip_gen: v7x
topology: tpu7x:2x2x1
jax: 0.10.2.dev20260603
libtpu: 0.0.44.dev20260713+nightly
codegen_flags: <defaults>
</compile_context>

<pallas_src>
import functools

import jax
import jax.numpy as jnp
import numpy as np
from jax.experimental import pallas as pl
from jax.experimental.pallas import tpu as pltpu
from jax.experimental.pallas import tpu_sc as plsc

H = 16
HD = 64
WINDOW = 8
NEG = -1e30
TR = 256
LW = 384
GMAX = 128

_INTERPRET = False


def _matmul_kernel(x_ref, w_ref, b_ref, o_ref):
    acc = (
        jnp.dot(x_ref[...], w_ref[...], preferred_element_type=jnp.float32)
        + b_ref[...]
    )
    o_ref[...] = acc.astype(o_ref.dtype)


def _matmul(x, w, b, out_dtype=jnp.float32, bn=1024):
    m, k = x.shape
    k2, n = w.shape
    grid = (n // bn,)
    return pl.pallas_call(
        _matmul_kernel,
        grid=grid,
        in_specs=[
            pl.BlockSpec((m, k), lambda j: (0, 0)),
            pl.BlockSpec((k, bn), lambda j: (0, j)),
            pl.BlockSpec((1, bn), lambda j: (0, j)),
        ],
        out_specs=pl.BlockSpec((m, bn), lambda j: (0, j)),
        out_shape=jax.ShapeDtypeStruct((m, n), out_dtype),
        interpret=_INTERPRET,
    )(x, w, b)


def _sc_gather_rows(src, idx):
    t, c = src.shape
    g = idx.shape[0]
    b_per_w = 8
    mesh = plsc.VectorSubcoreMesh(core_axis_name="c", subcore_axis_name="s")

    @functools.partial(
        pl.kernel, mesh=mesh,
        out_type=jax.ShapeDtypeStruct((g, c), jnp.float32),
        scratch_types=[
            pltpu.VMEM((b_per_w,), jnp.int32),
            pltpu.VMEM((b_per_w, c), jnp.float32),
            pltpu.SemaphoreType.DMA,
        ],
    )
    def k(table_hbm, idx_hbm, out_hbm, idx_v, rows_v, sem):
        cid = jax.lax.axis_index("c")
        sid = jax.lax.axis_index("s")

        @pl.when(cid == 0)
        def _():
            base = sid * b_per_w
            pltpu.sync_copy(idx_hbm.at[pl.ds(base, b_per_w)], idx_v)
            pltpu.async_copy(table_hbm.at[idx_v], rows_v, sem).wait()
            pltpu.sync_copy(rows_v, out_hbm.at[pl.ds(base, b_per_w)])

    return k(src, idx)


def _gather_rows(src_bf16, idx):
    t, c = src_bf16.shape
    g = idx.shape[0]
    src_f32 = jax.lax.bitcast_convert_type(
        src_bf16.reshape(t, c // 2, 2), jnp.float32
    )
    out_f32 = _sc_gather_rows(src_f32, idx)
    return jax.lax.bitcast_convert_type(out_f32, jnp.bfloat16).reshape(g, c)


def _attn_kernel(q_ref, k_ref, v_ref, kg_ref, vg_ref, gv_ref, wo_ref, bo_ref,
                 o_ref, *, t):
    scale = 1.0 / np.sqrt(HD)
    h = pl.program_id(0)
    nr = t // TR

    q = q_ref[...].reshape(t, HD)
    k = k_ref[...].reshape(t, HD)
    v = v_ref[...].reshape(t, HD)
    kg = kg_ref[...].reshape(kg_ref.shape[0], HD)
    vg = vg_ref[...].reshape(vg_ref.shape[0], HD)
    gv = gv_ref[...] > 0.0

    ctx_rows = []
    for r in range(nr):
        t0 = r * TR
        ls = min(max(t0 - (LW - TR) // 2, 0), t - LW)
        qs = q[t0:t0 + TR]
        kl = k[ls:ls + LW]
        vl = v[ls:ls + LW]

        row_ids = t0 + jax.lax.broadcasted_iota(jnp.int32, (TR, LW), 0)
        key_ids = ls + jax.lax.broadcasted_iota(jnp.int32, (TR, LW), 1)
        band = jnp.abs(key_ids - row_ids) <= WINDOW

        s_loc = jax.lax.dot_general(
            qs, kl, (((1,), (1,)), ((), ())),
            preferred_element_type=jnp.float32,
        ) * scale
        s_loc = jnp.where(band, s_loc, NEG)

        s_g = jax.lax.dot_general(
            qs, kg, (((1,), (1,)), ((), ())),
            preferred_element_type=jnp.float32,
        ) * scale
        s_g = jnp.where(gv, s_g, NEG)

        m = jnp.maximum(
            jnp.max(s_loc, axis=1, keepdims=True),
            jnp.max(s_g, axis=1, keepdims=True),
        )
        p_loc = jnp.exp(s_loc - m)
        p_g = jnp.exp(s_g - m)
        l = (jnp.sum(p_loc, axis=1, keepdims=True)
             + jnp.sum(p_g, axis=1, keepdims=True))
        acc = (
            jnp.dot(p_loc.astype(jnp.bfloat16), vl,
                    preferred_element_type=jnp.float32)
            + jnp.dot(p_g.astype(jnp.bfloat16), vg,
                      preferred_element_type=jnp.float32)
        )
        ctx_rows.append(acc / l)

    ctx = jnp.concatenate(ctx_rows, axis=0)
    contrib = jnp.dot(ctx.astype(jnp.bfloat16), wo_ref[...],
                      preferred_element_type=jnp.float32)

    @pl.when(h == 0)
    def _init():
        o_ref[...] = contrib + bo_ref[...]

    @pl.when(h != 0)
    def _accum():
        o_ref[...] += contrib


def _attention(qkv, kvsrc, gvalid, wo, bo):
    t = qkv.shape[0]
    d = H * HD
    ng = gvalid.shape[1]
    qkv4 = qkv.reshape(t, 3 * H, 1, HD)
    kvsrc4 = kvsrc.reshape(kvsrc.shape[0], 3 * H, 1, HD)
    grid = (H,)
    return pl.pallas_call(
        functools.partial(_attn_kernel, t=t),
        grid=grid,
        in_specs=[
            pl.BlockSpec((t, 1, 1, HD), lambda h: (0, h, 0, 0)),
            pl.BlockSpec((t, 1, 1, HD), lambda h: (0, H + h, 0, 0)),
            pl.BlockSpec((t, 1, 1, HD), lambda h: (0, 2 * H + h, 0, 0)),
            pl.BlockSpec((ng, 1, 1, HD), lambda h: (0, H + h, 0, 0)),
            pl.BlockSpec((ng, 1, 1, HD), lambda h: (0, 2 * H + h, 0, 0)),
            pl.BlockSpec((1, ng), lambda h: (0, 0)),
            pl.BlockSpec((HD, d), lambda h: (h, 0)),
            pl.BlockSpec((1, d), lambda h: (0, 0)),
        ],
        out_specs=pl.BlockSpec((t, d), lambda h: (0, 0)),
        out_shape=jax.ShapeDtypeStruct((t, d), jnp.float32),
        interpret=_INTERPRET,
    )(qkv4, qkv4, qkv4, kvsrc4, kvsrc4, gvalid, wo, bo)


def kernel(x, global_mask, Wq, bq, Wk, bk, Wv, bv, Wo, bo):
    b, t, d = x.shape
    x2 = x[0].astype(jnp.bfloat16)
    wqkv = jnp.concatenate([Wq, Wk, Wv], axis=1).astype(jnp.bfloat16)
    bqkv = jnp.concatenate([bq, bk, bv])[None, :]
    qkv = _matmul(x2, wqkv, bqkv, out_dtype=jnp.bfloat16)

    mask = global_mask[0]
    csum = jnp.cumsum(mask.astype(jnp.int32))
    g = csum[-1]
    slots = jnp.where(mask, csum - 1, GMAX + t)
    gidx = (
        jnp.zeros((GMAX,), jnp.int32)
        .at[slots]
        .set(jnp.arange(t, dtype=jnp.int32), mode="drop")
    )
    gvalid_fast = (jnp.arange(GMAX) < g).astype(jnp.float32)[None, :]
    gvalid_slow = mask.astype(jnp.float32)[None, :]

    wo_b = Wo.astype(jnp.bfloat16)
    bo_b = bo[None, :]

    def fast(qkv_):
        kv_glob = _gather_rows(qkv_, gidx)
        return _attention(qkv_, kv_glob, gvalid_fast, wo_b, bo_b)

    def slow(qkv_):
        return _attention(qkv_, qkv_, gvalid_slow, wo_b, bo_b)

    out2 = jax.lax.cond(g <= GMAX, fast, slow, qkv)
    return out2[None]

# --- scband reference (transcript-rebuilt; emitter-appended) ---
"""Pipeline reference for scband-sparse-global-attention-82892868813018 (READ-ONLY COPY).

The authoritative reference and input builder live on the scoring server;
editing this copy changes nothing except your own understanding.
"""

import jax, jax.numpy as jnp
import numpy as np

NUM_HEADS = 16
WINDOW = 8
KERNEL = 2 * WINDOW + 1
NEG = -1e30


def setup_inputs(seed: int = 0) -> dict:
    key = jax.random.key(seed)
    ks = jax.random.split(key, 12)
    B, T, D = 1, 2048, 1024
    x = jax.random.normal(ks[0], (B, T, D), dtype=jnp.float32)
    # ~2% of positions are global tokens
    global_mask = jax.random.randint(ks[1], (B, T), 0, 50) == 0
    def lin(k1, k2):
        W = (jax.random.normal(k1, (D, D), dtype=jnp.float32) / np.sqrt(D)).astype(jnp.float32)
        b = (jax.random.normal(k2, (D,), dtype=jnp.float32) * 0.01).astype(jnp.float32)
        return W, b
    Wq, bq = lin(ks[2], ks[3])
    Wk, bk = lin(ks[4], ks[5])
    Wv, bv = lin(ks[6], ks[7])
    Wo, bo = lin(ks[8], ks[9])
    return {"x": x, "global_mask": global_mask,
            "Wq": Wq, "bq": bq, "Wk": Wk, "bk": bk,
            "Wv": Wv, "bv": bv, "Wo": Wo, "bo": bo}


def reference(x, global_mask, Wq, bq, Wk, bk, Wv, bv, Wo, bo):
    B, T, D = x.shape
    H = NUM_HEADS
    hd = D // H
    scale = 1.0 / np.sqrt(hd)

    def proj(W, b):
        return (x @ W + b).reshape(B, T, H, hd).transpose(0, 2, 1, 3)

    q = proj(Wq, bq)  # [B,H,T,hd]
    k = proj(Wk, bk)
    v = proj(Wv, bv)

    # local banded scores: slot j of row t corresponds to key index t-WINDOW+j
    offsets = jnp.arange(-WINDOW, WINDOW + 1)
    pos = jnp.arange(T)[:, None] + offsets[None, :]        # [T,K]
    valid = (pos >= 0) & (pos < T)                          # [T,K]
    idx = jnp.clip(pos, 0, T - 1)                           # [T,K]
    k_win = k[:, :, idx, :]                                 # [B,H,T,K,hd]
    v_win = v[:, :, idx, :]                                 # [B,H,T,K,hd]
    local_s = jnp.einsum('bhtd,bhtkd->bhtk', q, k_win) * scale
    local_s = jnp.where(valid[None, None, :, :], local_s, NEG)

    # global scores against every position, masked to global tokens
    # (note: global tokens inside the local window appear twice, matching the
    #  original torch implementation which concatenates local + global scores)
    g_s = jnp.einsum('bhtd,bhjd->bhtj', q, k) * scale       # [B,H,T,T]
    g_s = jnp.where(global_mask[:, None, None, :], g_s, NEG)

    s = jnp.concatenate([local_s, g_s], axis=-1)            # [B,H,T,K+T]
    attn = jax.nn.softmax(s, axis=-1)
    a_loc = attn[..., :KERNEL]
    a_g = attn[..., KERNEL:]
    ctx = jnp.einsum('bhtk,bhtkd->bhtd', a_loc, v_win) \
        + jnp.einsum('bhtj,bhjd->bhtd', a_g, v)             # [B,H,T,hd]
    out = ctx.transpose(0, 2, 1, 3).reshape(B, T, D)
    return out @ Wo + bo

if __name__ == "__main__":
    import jax
    _d = setup_inputs()
    print(jax.jit(kernel)(*tuple(_d.values())))

</pallas_src>

<mosaic_0001>
#map = affine_map<(d0, d1) -> (0, 0)>
#map1 = affine_map<(d0, d1) -> (0)>
module attributes {stable_mosaic.version = 14 : i64} {
  func.func @k(%arg0: i32, %arg1: i32, %arg2: memref<2048x1536xf32, #tpu.memory_space<hbm>>, %arg3: memref<128xi32, #tpu.memory_space<hbm>>, %arg4: memref<128x1536xf32, #tpu.memory_space<hbm>>, %arg5: memref<8xi32, #tpu.memory_space<vmem>>, %arg6: memref<8x1536xf32, #tpu.memory_space<vmem>>, %arg7: memref<!tpu.dma_semaphore, #tpu.memory_space<semaphore_mem>>) attributes {dimension_semantics = [#tpu.dimension_semantics<core_parallel>, #tpu.dimension_semantics<subcore_parallel>], iteration_bounds = array<i64: 2, 16>, scalar_prefetch = 0 : i64, scratch_operands = 3 : i64, tpu.core_type = #tpu.core_type<sc_vector_subcore>, window_params = [{transform_indices = #map}, {transform_indices = #map1}, {transform_indices = #map}]} {
    %eq3A = arith.constant 0 : i32
    %eq3A_0 = arith.cmpi eq, %arg0, %eq3A : i32
    %convert_element_type3A = arith.extui %eq3A_0 : i1 to i32
    %cond3A = arith.constant 0 : i32
    %cond3A_1 = arith.cmpi ne, %convert_element_type3A, %cond3A : i32
    scf.if %cond3A_1 {
      %mul3A = arith.constant 8 : i32
      %mul3A_2 = arith.muli %arg1, %mul3A : i32
      "tpu.region"() ({
        %run_scoped3A = tpu.sem_alloc : memref<!tpu.dma_semaphore, #tpu.memory_space<semaphore_mem>>
        %dma_start3A_7 = tpu.memref_slice %arg3[%mul3A_2] : memref<128xi32, #tpu.memory_space<hbm>> -> memref<8xi32, #tpu.memory_space<hbm>>
        %dma_start3A_8 = tpu.memref_slice %arg3[%mul3A_2] : memref<128xi32, #tpu.memory_space<hbm>> -> memref<8xi32, #tpu.memory_space<hbm>>
        tpu.enqueue_dma source(%dma_start3A_8 : memref<8xi32, #tpu.memory_space<hbm>>) target(%arg5 : memref<8xi32, #tpu.memory_space<vmem>>) target_semaphore(%run_scoped3A : memref<!tpu.dma_semaphore, #tpu.memory_space<semaphore_mem>>)
        %dma_wait3A_9 = tpu.memref_slice %arg3[%mul3A_2] : memref<128xi32, #tpu.memory_space<hbm>> -> memref<8xi32, #tpu.memory_space<hbm>>
        %dma_wait3A_10 = tpu.memref_slice %arg3[%mul3A_2] : memref<128xi32, #tpu.memory_space<hbm>> -> memref<8xi32, #tpu.memory_space<hbm>>
        tpu.wait_dma2 semaphore(%run_scoped3A : memref<!tpu.dma_semaphore, #tpu.memory_space<semaphore_mem>>) src(%dma_wait3A_10 : memref<8xi32, #tpu.memory_space<hbm>>) dst(%arg5 : memref<8xi32, #tpu.memory_space<vmem>>)
        tpu.yield
      }) : () -> ()
      %dma_start3A = arith.constant 0 : i32
      %dma_start3A_3 = arith.constant 0 : i32
      %dma_start3A_4 = tpu.memref_slice %arg2[%dma_start3A, %dma_start3A_3] : memref<2048x1536xf32, #tpu.memory_space<hbm>> -> memref<2048x1536xf32, #tpu.memory_space<hbm>>
      tpu.enqueue_indirect_dma source(%dma_start3A_4 : memref<2048x1536xf32, #tpu.memory_space<hbm>>) target(%arg6 : memref<8x1536xf32, #tpu.memory_space<vmem>>) offsets(%arg5 : memref<8xi32, #tpu.memory_space<vmem>>) semaphore(%arg7 : memref<!tpu.dma_semaphore, #tpu.memory_space<semaphore_mem>>)
      %dma_wait3A = arith.constant 0 : i32
      %dma_wait3A_5 = arith.constant 0 : i32
      %dma_wait3A_6 = tpu.memref_slice %arg2[%dma_wait3A, %dma_wait3A_5] : memref<2048x1536xf32, #tpu.memory_space<hbm>> -> memref<2048x1536xf32, #tpu.memory_space<hbm>>
      tpu.wait_indirect_dma semaphore(%arg7 : memref<!tpu.dma_semaphore, #tpu.memory_space<semaphore_mem>>) src(%dma_wait3A_6 : memref<2048x1536xf32, #tpu.memory_space<hbm>>) dst(%arg6 : memref<8x1536xf32, #tpu.memory_space<vmem>>)
      "tpu.region"() ({
        %run_scoped3A = tpu.sem_alloc : memref<!tpu.dma_semaphore, #tpu.memory_space<semaphore_mem>>
        %dma_start3A_7 = arith.constant 0 : i32
        %dma_start3A_8 = tpu.memref_slice %arg4[%mul3A_2, %dma_start3A_7] : memref<128x1536xf32, #tpu.memory_space<hbm>> -> memref<8x1536xf32, #tpu.memory_space<hbm>>
        %dma_start3A_9 = arith.constant 0 : i32
        %dma_start3A_10 = tpu.memref_slice %arg4[%mul3A_2, %dma_start3A_9] : memref<128x1536xf32, #tpu.memory_space<hbm>> -> memref<8x1536xf32, #tpu.memory_space<hbm>>
        tpu.enqueue_dma source(%arg6 : memref<8x1536xf32, #tpu.memory_space<vmem>>) target(%dma_start3A_10 : memref<8x1536xf32, #tpu.memory_space<hbm>>) target_semaphore(%run_scoped3A : memref<!tpu.dma_semaphore, #tpu.memory_space<semaphore_mem>>)
        %dma_wait3A_11 = arith.constant 0 : i32
        %dma_wait3A_12 = tpu.memref_slice %arg4[%mul3A_2, %dma_wait3A_11] : memref<128x1536xf32, #tpu.memory_space<hbm>> -> memref<8x1536xf32, #tpu.memory_space<hbm>>
        %dma_wait3A_13 = arith.constant 0 : i32
        %dma_wait3A_14 = tpu.memref_slice %arg4[%mul3A_2, %dma_wait3A_13] : memref<128x1536xf32, #tpu.memory_space<hbm>> -> memref<8x1536xf32, #tpu.memory_space<hbm>>
        tpu.wait_dma2 semaphore(%run_scoped3A : memref<!tpu.dma_semaphore, #tpu.memory_space<semaphore_mem>>) src(%arg6 : memref<8x1536xf32, #tpu.memory_space<vmem>>) dst(%dma_wait3A_14 : memref<8x1536xf32, #tpu.memory_space<hbm>>)
        tpu.yield
      }) : () -> ()
    } else {
    }
    return
  }
}

module attributes {stable_mosaic.version = 14 : i64} {
  func.func @_matmul_kernel(%arg0: i32, %arg1: memref<2048x1024xbf16, #tpu.memory_space<vmem>>, %arg2: memref<1024x1024xbf16, #tpu.memory_space<vmem>>, %arg3: memref<1x1024xf32, #tpu.memory_space<vmem>>, %arg4: memref<2048x1024xbf16, #tpu.memory_space<vmem>>) attributes {dimension_semantics = [#tpu.dimension_semantics<arbitrary>], iteration_bounds = array<i64: 3>, scalar_prefetch = 0 : i64, scratch_operands = 0 : i64, tpu.core_type = #tpu.core_type<tc>, window_params = [{pipeline_mode = #tpu.pipeline_mode<synchronous>, transform_indices = @transform_0, window_bounds = array<i64: 2048, 1024>}, {transform_indices = @transform_1, window_bounds = array<i64: 1024, 1024>}, {transform_indices = @transform_2, window_bounds = array<i64: 1, 1024>}, {transform_indices = @transform_3, window_bounds = array<i64: 2048, 1024>}]} {
    %get3A = arith.constant 0 : index
    %get3A_0 = arith.constant 0 : index
    %get3A_1 = vector.load %arg1[%get3A, %get3A_0] : memref<2048x1024xbf16, #tpu.memory_space<vmem>>, vector<2048x1024xbf16>
    %get3A_2 = arith.constant 0 : index
    %get3A_3 = arith.constant 0 : index
    %get3A_4 = vector.load %arg2[%get3A_2, %get3A_3] : memref<1024x1024xbf16, #tpu.memory_space<vmem>>, vector<1024x1024xbf16>
    %dot_general3A = arith.constant dense<0.000000e+00> : vector<2048x1024xf32>
    %dot_general3A_5 = tpu.matmul %get3A_1, %get3A_4, %dot_general3A {dimension_numbers = #tpu.dot_dimension_numbers<[1], [0], [0], [1], [0, 0, 1, 1], [], []>, transpose_lhs_hint = false} : vector<2048x1024xbf16>, vector<1024x1024xbf16>, vector<2048x1024xf32> -> vector<2048x1024xf32>
    %get3A_6 = arith.constant 0 : index
    %get3A_7 = arith.constant 0 : index
    %get3A_8 = vector.load %arg3[%get3A_6, %get3A_7] : memref<1x1024xf32, #tpu.memory_space<vmem>>, vector<1x1024xf32>
    %add3A = vector.broadcast %get3A_8 : vector<1x1024xf32> to vector<2048x1024xf32>
    %add3A_9 = arith.addf %dot_general3A_5, %add3A : vector<2048x1024xf32>
    %convert_element_type3A = arith.truncf %add3A_9 : vector<2048x1024xf32> to vector<2048x1024xbf16>
    %swap3A = arith.constant 0 : index
    %swap3A_10 = arith.constant 0 : index
    %swap3A_11 = vector.load %arg4[%swap3A, %swap3A_10] : memref<2048x1024xbf16, #tpu.memory_space<vmem>>, vector<2048x1024xbf16>
    tpu.vector_store %arg4[%swap3A, %swap3A_10], %convert_element_type3A {strides = array<i32>} : memref<2048x1024xbf16, #tpu.memory_space<vmem>>, vector<2048x1024xbf16>,
    return
  }
  func.func @transform_0(%arg0: i32) -> (i32, i32) {
    %c0_i32 = arith.constant 0 : i32
    %c0_i32_0 = arith.constant 0 : i32
    %c0_i32_1 = arith.constant 0 : i32
    return %c0_i32, %c0_i32_0 : i32, i32
  }
  func.func @transform_1(%arg0: i32) -> (i32, i32) {
    %c0_i32 = arith.constant 0 : i32
    %c0_i32_0 = arith.constant 0 : i32
    return %c0_i32, %arg0 : i32, i32
  }
  func.func @transform_2(%arg0: i32) -> (i32, i32) {
    %c0_i32 = arith.constant 0 : i32
    %c0_i32_0 = arith.constant 0 : i32
    return %c0_i32, %arg0 : i32, i32
  }
  func.func @transform_3(%arg0: i32) -> (i32, i32) {
    %c0_i32 = arith.constant 0 : i32
    %c0_i32_0 = arith.constant 0 : i32
    return %c0_i32, %arg0 : i32, i32
  }
}

module attributes {stable_mosaic.version = 14 : i64} {
  func.func @_attn_kernel(%arg0: i32, %arg1: memref<2048x1x1x64xbf16, #tpu.memory_space<vmem>>, %arg2: memref<2048x1x1x64xbf16, #tpu.memory_space<vmem>>, %arg3: memref<2048x1x1x64xbf16, #tpu.memory_space<vmem>>, %arg4: memref<2048x1x1x64xbf16, #tpu.memory_space<vmem>>, %arg5: memref<2048x1x1x64xbf16, #tpu.memory_space<vmem>>, %arg6: memref<1x2048xf32, #tpu.memory_space<vmem>>, %arg7: memref<64x1024xbf16, #tpu.memory_space<vmem>>, %arg8: memref<1x1024xf32, #tpu.memory_space<vmem>>, %arg9: memref<2048x1024xf32, #tpu.memory_space<vmem>>) attributes {dimension_semantics = [#tpu.dimension_semantics<arbitrary>], iteration_bounds = array<i64: 16>, scalar_prefetch = 0 : i64, scratch_operands = 0 : i64, tpu.core_type = #tpu.core_type<tc>, window_params = [{transform_indices = @transform_0, window_bounds = array<i64: 2048, 1, 1, 64>}, {transform_indices = @transform_1, window_bounds = array<i64: 2048, 1, 1, 64>}, {transform_indices = @transform_2, window_bounds = array<i64: 2048, 1, 1, 64>}, {transform_indices = @transform_3, window_bounds = array<i64: 2048, 1, 1, 64>}, {transform_indices = @transform_4, window_bounds = array<i64: 2048, 1, 1, 64>}, {pipeline_mode = #tpu.pipeline_mode<synchronous>, transform_indices = @transform_5, window_bounds = array<i64: 1, 2048>}, {transform_indices = @transform_6, window_bounds = array<i64: 64, 1024>}, {pipeline_mode = #tpu.pipeline_mode<synchronous>, transform_indices = @transform_7, window_bounds = array<i64: 1, 1024>}, {pipeline_mode = #tpu.pipeline_mode<synchronous>, transform_indices = @transform_8, window_bounds = array<i64: 2048, 1024>}]} {
    %get3A = arith.constant 0 : index
    %get3A_0 = arith.constant 0 : index
    %get3A_1 = arith.constant 0 : index
    %get3A_2 = arith.constant 0 : index
    %get3A_3 = vector.load %arg1[%get3A, %get3A_0, %get3A_1, %get3A_2] : memref<2048x1x1x64xbf16, #tpu.memory_space<vmem>>, vector<2048x1x1x64xbf16>
    %reshape3A = vector.shape_cast %get3A_3 : vector<2048x1x1x64xbf16> to vector<2048x64xbf16>
    %get3A_4 = arith.constant 0 : index
    %get3A_5 = arith.constant 0 : index
    %get3A_6 = arith.constant 0 : index
    %get3A_7 = arith.constant 0 : index
    %get3A_8 = vector.load %arg2[%get3A_4, %get3A_5, %get3A_6, %get3A_7] : memref<2048x1x1x64xbf16, #tpu.memory_space<vmem>>, vector<2048x1x1x64xbf16>
    %reshape3A_9 = vector.shape_cast %get3A_8 : vector<2048x1x1x64xbf16> to vector<2048x64xbf16>
    %get3A_10 = arith.constant 0 : index
    %get3A_11 = arith.constant 0 : index
    %get3A_12 = arith.constant 0 : index
    %get3A_13 = arith.constant 0 : index
    %get3A_14 = vector.load %arg3[%get3A_10, %get3A_11, %get3A_12, %get3A_13] : memref<2048x1x1x64xbf16, #tpu.memory_space<vmem>>, vector<2048x1x1x64xbf16>
    %reshape3A_15 = vector.shape_cast %get3A_14 : vector<2048x1x1x64xbf16> to vector<2048x64xbf16>
    %get3A_16 = arith.constant 0 : index
    %get3A_17 = arith.constant 0 : index
    %get3A_18 = arith.constant 0 : index
    %get3A_19 = arith.constant 0 : index
    %get3A_20 = vector.load %arg4[%get3A_16, %get3A_17, %get3A_18, %get3A_19] : memref<2048x1x1x64xbf16, #tpu.memory_space<vmem>>, vector<2048x1x1x64xbf16>
    %reshape3A_21 = vector.shape_cast %get3A_20 : vector<2048x1x1x64xbf16> to vector<2048x64xbf16>
    %get3A_22 = arith.constant 0 : index
    %get3A_23 = arith.constant 0 : index
    %get3A_24 = arith.constant 0 : index
    %get3A_25 = arith.constant 0 : index
    %get3A_26 = vector.load %arg5[%get3A_22, %get3A_23, %get3A_24, %get3A_25] : memref<2048x1x1x64xbf16, #tpu.memory_space<vmem>>, vector<2048x1x1x64xbf16>
    %reshape3A_27 = vector.shape_cast %get3A_26 : vector<2048x1x1x64xbf16> to vector<2048x64xbf16>
    %get3A_28 = arith.constant 0 : index
    %get3A_29 = arith.constant 0 : index
    %get3A_30 = vector.load %arg6[%get3A_28, %get3A_29] : memref<1x2048xf32, #tpu.memory_space<vmem>>, vector<1x2048xf32>
    %gt3A = arith.constant 0.000000e+00 : f32
    %gt3A_31 = vector.broadcast %gt3A : f32 to vector<1x2048xf32>
    %gt3A_32 = arith.cmpf ogt, %get3A_30, %gt3A_31 : vector<1x2048xf32>
    %slice3A = vector.extract_strided_slice %reshape3A {offsets = [0, 0], sizes = [256, 64], strides = [1, 1]} : vector<2048x64xbf16> to vector<256x64xbf16>
    %slice3A_33 = vector.extract_strided_slice %reshape3A_9 {offsets = [0, 0], sizes = [384, 64], strides = [1, 1]} : vector<2048x64xbf16> to vector<384x64xbf16>
    %slice3A_34 = vector.extract_strided_slice %reshape3A_15 {offsets = [0, 0], sizes = [384, 64], strides = [1, 1]} : vector<2048x64xbf16> to vector<384x64xbf16>
    %iota3A = tpu.iota {dimensions = array<i32: 0>} : vector<256x384xi32>
    %add3A = arith.constant 0 : i32
    %add3A_35 = vector.broadcast %add3A : i32 to vector<256x384xi32>
    %add3A_36 = arith.addi %add3A_35, %iota3A : vector<256x384xi32>
    %iota3A_37 = tpu.iota {dimensions = array<i32: 1>} : vector<256x384xi32>
    %add3A_38 = arith.constant 0 : i32
    %add3A_39 = vector.broadcast %add3A_38 : i32 to vector<256x384xi32>
    %add3A_40 = arith.addi %add3A_39, %iota3A_37 : vector<256x384xi32>
    %sub3A = arith.subi %add3A_40, %add3A_36 : vector<256x384xi32>
    %abs3A = math.absi %sub3A : vector<256x384xi32>
    %le3A = arith.constant 8 : i32
    %le3A_41 = vector.broadcast %le3A : i32 to vector<256x384xi32>
    %le3A_42 = arith.cmpi sle, %abs3A, %le3A_41 : vector<256x384xi32>
    %dot_general3A = arith.constant dense<0.000000e+00> : vector<256x384xf32>
    %dot_general3A_43 = tpu.matmul %slice3A, %slice3A_33, %dot_general3A {dimension_numbers = #tpu.dot_dimension_numbers<[1], [1], [0], [0], [0, 0, 1, 0], [], []>, transpose_lhs_hint = false} : vector<256x64xbf16>, vector<384x64xbf16>, vector<256x384xf32> -> vector<256x384xf32>
    %mul3A = arith.constant 1.250000e-01 : f32
    %mul3A_44 = vector.broadcast %mul3A : f32 to vector<256x384xf32>
    %mul3A_45 = arith.mulf %dot_general3A_43, %mul3A_44 : vector<256x384xf32>
    %jit3A = arith.constant -1.000000e+30 : f32
    %broadcast_in_dim3A = vector.broadcast %jit3A : f32 to vector<256x384xf32>
    %select_n3A = arith.select %le3A_42, %mul3A_45, %broadcast_in_dim3A : vector<256x384xi1>, vector<256x384xf32>
    %dot_general3A_46 = arith.constant dense<0.000000e+00> : vector<256x2048xf32>
    %dot_general3A_47 = tpu.matmul %slice3A, %reshape3A_21, %dot_general3A_46 {dimension_numbers = #tpu.dot_dimension_numbers<[1], [1], [0], [0], [0, 0, 1, 0], [], []>, transpose_lhs_hint = false} : vector<256x64xbf16>, vector<2048x64xbf16>, vector<256x2048xf32> -> vector<256x2048xf32>
    %mul3A_48 = arith.constant 1.250000e-01 : f32
    %mul3A_49 = vector.broadcast %mul3A_48 : f32 to vector<256x2048xf32>
    %mul3A_50 = arith.mulf %dot_general3A_47, %mul3A_49 : vector<256x2048xf32>
    %jit3A_51 = arith.constant -1.000000e+30 : f32
    %broadcast_in_dim3A_52 = vector.shape_cast %gt3A_32 : vector<1x2048xi1> to vector<1x2048xi1>
    %broadcast_in_dim3A_53 = vector.broadcast %broadcast_in_dim3A_52 : vector<1x2048xi1> to vector<256x2048xi1>
    %broadcast_in_dim3A_54 = vector.broadcast %jit3A_51 : f32 to vector<256x2048xf32>
    %select_n3A_55 = arith.select %broadcast_in_dim3A_53, %mul3A_50, %broadcast_in_dim3A_54 : vector<256x2048xi1>, vector<256x2048xf32>
    %reduce_max3A = arith.constant dense<0xFF800000> : vector<256xf32>
    %reduce_max3A_56 = vector.multi_reduction <maximumf>, %select_n3A, %reduce_max3A [1] : vector<256x384xf32> to vector<256xf32>
    %broadcast_in_dim3A_57 = vector.shape_cast %reduce_max3A_56 : vector<256xf32> to vector<256x1xf32>
    %reduce_max3A_58 = arith.constant dense<0xFF800000> : vector<256xf32>
    %reduce_max3A_59 = vector.multi_reduction <maximumf>, %select_n3A_55, %reduce_max3A_58 [1] : vector<256x2048xf32> to vector<256xf32>
    %broadcast_in_dim3A_60 = vector.shape_cast %reduce_max3A_59 : vector<256xf32> to vector<256x1xf32>
    %max3A = arith.maximumf %broadcast_in_dim3A_57, %broadcast_in_dim3A_60 : vector<256x1xf32>
    %sub3A_61 = vector.broadcast %max3A : vector<256x1xf32> to vector<256x384xf32>
    %sub3A_62 = arith.subf %select_n3A, %sub3A_61 : vector<256x384xf32>
    %exp3A = math.exp %sub3A_62 : vector<256x384xf32>
    %sub3A_63 = vector.broadcast %max3A : vector<256x1xf32> to vector<256x2048xf32>
    %sub3A_64 = arith.subf %select_n3A_55, %sub3A_63 : vector<256x2048xf32>
    %exp3A_65 = math.exp %sub3A_64 : vector<256x2048xf32>
    %reduce_sum3A = arith.constant dense<0.000000e+00> : vector<256xf32>
    %reduce_sum3A_66 = vector.multi_reduction <add>, %exp3A, %reduce_sum3A [1] : vector<256x384xf32> to vector<256xf32>
    %broadcast_in_dim3A_67 = vector.shape_cast %reduce_sum3A_66 : vector<256xf32> to vector<256x1xf32>
    %reduce_sum3A_68 = arith.constant dense<0.000000e+00> : vector<256xf32>
    %reduce_sum3A_69 = vector.multi_reduction <add>, %exp3A_65, %reduce_sum3A_68 [1] : vector<256x2048xf32> to vector<256xf32>
    %broadcast_in_dim3A_70 = vector.shape_cast %reduce_sum3A_69 : vector<256xf32> to vector<256x1xf32>
    %add3A_71 = arith.addf %broadcast_in_dim3A_67, %broadcast_in_dim3A_70 : vector<256x1xf32>
    %convert_element_type3A = arith.truncf %exp3A : vector<256x384xf32> to vector<256x384xbf16>
    %dot_general3A_72 = arith.constant dense<0.000000e+00> : vector<256x64xf32>
    %dot_general3A_73 = tpu.matmul %convert_element_type3A, %slice3A_34, %dot_general3A_72 {dimension_numbers = #tpu.dot_dimension_numbers<[1], [0], [0], [1], [0, 0, 1, 1], [], []>, transpose_lhs_hint = false} : vector<256x384xbf16>, vector<384x64xbf16>, vector<256x64xf32> -> vector<256x64xf32>
    %convert_element_type3A_74 = arith.truncf %exp3A_65 : vector<256x2048xf32> to vector<256x2048xbf16>
    %dot_general3A_75 = arith.constant dense<0.000000e+00> : vector<256x64xf32>
    %dot_general3A_76 = tpu.matmul %convert_element_type3A_74, %reshape3A_27, %dot_general3A_75 {dimension_numbers = #tpu.dot_dimension_numbers<[1], [0], [0], [1], [0, 0, 1, 1], [], []>, transpose_lhs_hint = false} : vector<256x2048xbf16>, vector<2048x64xbf16>, vector<256x64xf32> -> vector<256x64xf32>
    %add3A_77 = arith.addf %dot_general3A_73, %dot_general3A_76 : vector<256x64xf32>
    %div3A = vector.broadcast %add3A_71 : vector<256x1xf32> to vector<256x64xf32>
    %div3A_78 = arith.divf %add3A_77, %div3A : vector<256x64xf32>
    %slice3A_79 = vector.extract_strided_slice %reshape3A {offsets = [256, 0], sizes = [256, 64], strides = [1, 1]} : vector<2048x64xbf16> to vector<256x64xbf16>
    %slice3A_80 = vector.extract_strided_slice %reshape3A_9 {offsets = [192, 0], sizes = [384, 64], strides = [1, 1]} : vector<2048x64xbf16> to vector<384x64xbf16>
    %slice3A_81 = vector.extract_strided_slice %reshape3A_15 {offsets = [192, 0], sizes = [384, 64], strides = [1, 1]} : vector<2048x64xbf16> to vector<384x64xbf16>
    %iota3A_82 = tpu.iota {dimensions = array<i32: 0>} : vector<256x384xi32>
    %add3A_83 = arith.constant 256 : i32
    %add3A_84 = vector.broadcast %add3A_83 : i32 to vector<256x384xi32>
    %add3A_85 = arith.addi %add3A_84, %iota3A_82 : vector<256x384xi32>
    %iota3A_86 = tpu.iota {dimensions = array<i32: 1>} : vector<256x384xi32>
    %add3A_87 = arith.constant 192 : i32
    %add3A_88 = vector.broadcast %add3A_87 : i32 to vector<256x384xi32>
    %add3A_89 = arith.addi %add3A_88, %iota3A_86 : vector<256x384xi32>
    %sub3A_90 = arith.subi %add3A_89, %add3A_85 : vector<256x384xi32>
    %abs3A_91 = math.absi %sub3A_90 : vector<256x384xi32>
    %le3A_92 = arith.constant 8 : i32
    %le3A_93 = vector.broadcast %le3A_92 : i32 to vector<256x384xi32>
    %le3A_94 = arith.cmpi sle, %abs3A_91, %le3A_93 : vector<256x384xi32>
    %dot_general3A_95 = arith.constant dense<0.000000e+00> : vector<256x384xf32>
    %dot_general3A_96 = tpu.matmul %slice3A_79, %slice3A_80, %dot_general3A_95 {dimension_numbers = #tpu.dot_dimension_numbers<[1], [1], [0], [0], [0, 0, 1, 0], [], []>, transpose_lhs_hint = false} : vector<256x64xbf16>, vector<384x64xbf16>, vector<256x384xf32> -> vector<256x384xf32>
    %mul3A_97 = arith.constant 1.250000e-01 : f32
    %mul3A_98 = vector.broadcast %mul3A_97 : f32 to vector<256x384xf32>
    %mul3A_99 = arith.mulf %dot_general3A_96, %mul3A_98 : vector<256x384xf32>
    %jit3A_100 = arith.constant -1.000000e+30 : f32
    %broadcast_in_dim3A_101 = vector.broadcast %jit3A_100 : f32 to vector<256x384xf32>
    %select_n3A_102 = arith.select %le3A_94, %mul3A_99, %broadcast_in_dim3A_101 : vector<256x384xi1>, vector<256x384xf32>
    %dot_general3A_103 = arith.constant dense<0.000000e+00> : vector<256x2048xf32>
    %dot_general3A_104 = tpu.matmul %slice3A_79, %reshape3A_21, %dot_general3A_103 {dimension_numbers = #tpu.dot_dimension_numbers<[1], [1], [0], [0], [0, 0, 1, 0], [], []>, transpose_lhs_hint = false} : vector<256x64xbf16>, vector<2048x64xbf16>, vector<256x2048xf32> -> vector<256x2048xf32>
    %mul3A_105 = arith.constant 1.250000e-01 : f32
    %mul3A_106 = vector.broadcast %mul3A_105 : f32 to vector<256x2048xf32>
    %mul3A_107 = arith.mulf %dot_general3A_104, %mul3A_106 : vector<256x2048xf32>
    %jit3A_108 = arith.constant -1.000000e+30 : f32
    %broadcast_in_dim3A_109 = vector.shape_cast %gt3A_32 : vector<1x2048xi1> to vector<1x2048xi1>
    %broadcast_in_dim3A_110 = vector.broadcast %broadcast_in_dim3A_109 : vector<1x2048xi1> to vector<256x2048xi1>
    %broadcast_in_dim3A_111 = vector.broadcast %jit3A_108 : f32 to vector<256x2048xf32>
    %select_n3A_112 = arith.select %broadcast_in_dim3A_110, %mul3A_107, %broadcast_in_dim3A_111 : vector<256x2048xi1>, vector<256x2048xf32>
    %reduce_max3A_113 = arith.constant dense<0xFF800000> : vector<256xf32>
    %reduce_max3A_114 = vector.multi_reduction <maximumf>, %select_n3A_102, %reduce_max3A_113 [1] : vector<256x384xf32> to vector<256xf32>
    %broadcast_in_dim3A_115 = vector.shape_cast %reduce_max3A_114 : vector<256xf32> to vector<256x1xf32>
    %reduce_max3A_116 = arith.constant dense<0xFF800000> : vector<256xf32>
    %reduce_max3A_117 = vector.multi_reduction <maximumf>, %select_n3A_112, %reduce_max3A_116 [1] : vector<256x2048xf32> to vector<256xf32>
    %broadcast_in_dim3A_118 = vector.shape_cast %reduce_max3A_117 : vector<256xf32> to vector<256x1xf32>
    %max3A_119 = arith.maximumf %broadcast_in_dim3A_115, %broadcast_in_dim3A_118 : vector<256x1xf32>
    %sub3A_120 = vector.broadcast %max3A_119 : vector<256x1xf32> to vector<256x384xf32>
    %sub3A_121 = arith.subf %select_n3A_102, %sub3A_120 : vector<256x384xf32>
    %exp3A_122 = math.exp %sub3A_121 : vector<256x384xf32>
    %sub3A_123 = vector.broadcast %max3A_119 : vector<256x1xf32> to vector<256x2048xf32>
    %sub3A_124 = arith.subf %select_n3A_112, %sub3A_123 : vector<256x2048xf32>
    %exp3A_125 = math.exp %sub3A_124 : vector<256x2048xf32>
    %reduce_sum3A_126 = arith.constant dense<0.000000e+00> : vector<256xf32>
    %reduce_sum3A_127 = vector.multi_reduction <add>, %exp3A_122, %reduce_sum3A_126 [1] : vector<256x384xf32> to vector<256xf32>
    %broadcast_in_dim3A_128 = vector.shape_cast %reduce_sum3A_127 : vector<256xf32> to vector<256x1xf32>
    %reduce_sum3A_129 = arith.constant dense<0.000000e+00> : vector<256xf32>
    %reduce_sum3A_130 = vector.multi_reduction <add>, %exp3A_125, %reduce_sum3A_129 [1] : vector<256x2048xf32> to vector<256xf32>
    %broadcast_in_dim3A_131 = vector.shape_cast %reduce_sum3A_130 : vector<256xf32> to vector<256x1xf32>
    %add3A_132 = arith.addf %broadcast_in_dim3A_128, %broadcast_in_dim3A_131 : vector<256x1xf32>
    %convert_element_type3A_133 = arith.truncf %exp3A_122 : vector<256x384xf32> to vector<256x384xbf16>
    %dot_general3A_134 = arith.constant dense<0.000000e+00> : vector<256x64xf32>
    %dot_general3A_135 = tpu.matmul %convert_element_type3A_133, %slice3A_81, %dot_general3A_134 {dimension_numbers = #tpu.dot_dimension_numbers<[1], [0], [0], [1], [0, 0, 1, 1], [], []>, transpose_lhs_hint = false} : vector<256x384xbf16>, vector<384x64xbf16>, vector<256x64xf32> -> vector<256x64xf32>
    %convert_element_type3A_136 = arith.truncf %exp3A_125 : vector<256x2048xf32> to vector<256x2048xbf16>
    %dot_general3A_137 = arith.constant dense<0.000000e+00> : vector<256x64xf32>
    %dot_general3A_138 = tpu.matmul %convert_element_type3A_136, %reshape3A_27, %dot_general3A_137 {dimension_numbers = #tpu.dot_dimension_numbers<[1], [0], [0], [1], [0, 0, 1, 1], [], []>, transpose_lhs_hint = false} : vector<256x2048xbf16>, vector<2048x64xbf16>, vector<256x64xf32> -> vector<256x64xf32>
    %add3A_139 = arith.addf %dot_general3A_135, %dot_general3A_138 : vector<256x64xf32>
    %div3A_140 = vector.broadcast %add3A_132 : vector<256x1xf32> to vector<256x64xf32>
    %div3A_141 = arith.divf %add3A_139, %div3A_140 : vector<256x64xf32>
    %slice3A_142 = vector.extract_strided_slice %reshape3A {offsets = [512, 0], sizes = [256, 64], strides = [1, 1]} : vector<2048x64xbf16> to vector<256x64xbf16>
    %slice3A_143 = vector.extract_strided_slice %reshape3A_9 {offsets = [448, 0], sizes = [384, 64], strides = [1, 1]} : vector<2048x64xbf16> to vector<384x64xbf16>
    %slice3A_144 = vector.extract_strided_slice %reshape3A_15 {offsets = [448, 0], sizes = [384, 64], strides = [1, 1]} : vector<2048x64xbf16> to vector<384x64xbf16>
    %iota3A_145 = tpu.iota {dimensions = array<i32: 0>} : vector<256x384xi32>
    %add3A_146 = arith.constant 512 : i32
    %add3A_147 = vector.broadcast %add3A_146 : i32 to vector<256x384xi32>
    %add3A_148 = arith.addi %add3A_147, %iota3A_145 : vector<256x384xi32>
    %iota3A_149 = tpu.iota {dimensions = array<i32: 1>} : vector<256x384xi32>
    %add3A_150 = arith.constant 448 : i32
    %add3A_151 = vector.broadcast %add3A_150 : i32 to vector<256x384xi32>
    %add3A_152 = arith.addi %add3A_151, %iota3A_149 : vector<256x384xi32>
    %sub3A_153 = arith.subi %add3A_152, %add3A_148 : vector<256x384xi32>
    %abs3A_154 = math.absi %sub3A_153 : vector<256x384xi32>
    %le3A_155 = arith.constant 8 : i32
    %le3A_156 = vector.broadcast %le3A_155 : i32 to vector<256x384xi32>
    %le3A_157 = arith.cmpi sle, %abs3A_154, %le3A_156 : vector<256x384xi32>
    %dot_general3A_158 = arith.constant dense<0.000000e+00> : vector<256x384xf32>
    %dot_general3A_159 = tpu.matmul %slice3A_142, %slice3A_143, %dot_general3A_158 {dimension_numbers = #tpu.dot_dimension_numbers<[1], [1], [0], [0], [0, 0, 1, 0], [], []>, transpose_lhs_hint = false} : vector<256x64xbf16>, vector<384x64xbf16>, vector<256x384xf32> -> vector<256x384xf32>
    %mul3A_160 = arith.constant 1.250000e-01 : f32
    %mul3A_161 = vector.broadcast %mul3A_160 : f32 to vector<256x384xf32>
    %mul3A_162 = arith.mulf %dot_general3A_159, %mul3A_161 : vector<256x384xf32>
    %jit3A_163 = arith.constant -1.000000e+30 : f32
    %broadcast_in_dim3A_164 = vector.broadcast %jit3A_163 : f32 to vector<256x384xf32>
    %select_n3A_165 = arith.select %le3A_157, %mul3A_162, %broadcast_in_dim3A_164 : vector<256x384xi1>, vector<256x384xf32>
    %dot_general3A_166 = arith.constant dense<0.000000e+00> : vector<256x2048xf32>
    %dot_general3A_167 = tpu.matmul %slice3A_142, %reshape3A_21, %dot_general3A_166 {dimension_numbers = #tpu.dot_dimension_numbers<[1], [1], [0], [0], [0, 0, 1, 0], [], []>, transpose_lhs_hint = false} : vector<256x64xbf16>, vector<2048x64xbf16>, vector<256x2048xf32> -> vector<256x2048xf32>
    %mul3A_168 = arith.constant 1.250000e-01 : f32
    %mul3A_169 = vector.broadcast %mul3A_168 : f32 to vector<256x2048xf32>
    %mul3A_170 = arith.mulf %dot_general3A_167, %mul3A_169 : vector<256x2048xf32>
    %jit3A_171 = arith.constant -1.000000e+30 : f32
    %broadcast_in_dim3A_172 = vector.shape_cast %gt3A_32 : vector<1x2048xi1> to vector<1x2048xi1>
    %broadcast_in_dim3A_173 = vector.broadcast %broadcast_in_dim3A_172 : vector<1x2048xi1> to vector<256x2048xi1>
    %broadcast_in_dim3A_174 = vector.broadcast %jit3A_171 : f32 to vector<256x2048xf32>
    %select_n3A_175 = arith.select %broadcast_in_dim3A_173, %mul3A_170, %broadcast_in_dim3A_174 : vector<256x2048xi1>, vector<256x2048xf32>
    %reduce_max3A_176 = arith.constant dense<0xFF800000> : vector<256xf32>
    %reduce_max3A_177 = vector.multi_reduction <maximumf>, %select_n3A_165, %reduce_max3A_176 [1] : vector<256x384xf32> to vector<256xf32>
    %broadcast_in_dim3A_178 = vector.shape_cast %reduce_max3A_177 : vector<256xf32> to vector<256x1xf32>
    %reduce_max3A_179 = arith.constant dense<0xFF800000> : vector<256xf32>
    %reduce_max3A_180 = vector.multi_reduction <maximumf>, %select_n3A_175, %reduce_max3A_179 [1] : vector<256x2048xf32> to vector<256xf32>
    %broadcast_in_dim3A_181 = vector.shape_cast %reduce_max3A_180 : vector<256xf32> to vector<256x1xf32>
    %max3A_182 = arith.maximumf %broadcast_in_dim3A_178, %broadcast_in_dim3A_181 : vector<256x1xf32>
    %sub3A_183 = vector.broadcast %max3A_182 : vector<256x1xf32> to vector<256x384xf32>
    %sub3A_184 = arith.subf %select_n3A_165, %sub3A_183 : vector<256x384xf32>
    %exp3A_185 = math.exp %sub3A_184 : vector<256x384xf32>
    %sub3A_186 = vector.broadcast %max3A_182 : vector<256x1xf32> to vector<256x2048xf32>
    %sub3A_187 = arith.subf %select_n3A_175, %sub3A_186 : vector<256x2048xf32>
    %exp3A_188 = math.exp %sub3A_187 : vector<256x2048xf32>
    %reduce_sum3A_189 = arith.constant dense<0.000000e+00> : vector<256xf32>
    %reduce_sum3A_190 = vector.multi_reduction <add>, %exp3A_185, %reduce_sum3A_189 [1] : vector<256x384xf32> to vector<256xf32>
    %broadcast_in_dim3A_191 = vector.shape_cast %reduce_sum3A_190 : vector<256xf32> to vector<256x1xf32>
    %reduce_sum3A_192 = arith.constant dense<0.000000e+00> : vector<256xf32>
    %reduce_sum3A_193 = vector.multi_reduction <add>, %exp3A_188, %reduce_sum3A_192 [1] : vector<256x2048xf32> to vector<256xf32>
    %broadcast_in_dim3A_194 = vector.shape_cast %reduce_sum3A_193 : vector<256xf32> to vector<256x1xf32>
    %add3A_195 = arith.addf %broadcast_in_dim3A_191, %broadcast_in_dim3A_194 : vector<256x1xf32>
    %convert_element_type3A_196 = arith.truncf %exp3A_185 : vector<256x384xf32> to vector<256x384xbf16>
    %dot_general3A_197 = arith.constant dense<0.000000e+00> : vector<256x64xf32>
    %dot_general3A_198 = tpu.matmul %convert_element_type3A_196, %slice3A_144, %dot_general3A_197 {dimension_numbers = #tpu.dot_dimension_numbers<[1], [0], [0], [1], [0, 0, 1, 1], [], []>, transpose_lhs_hint = false} : vector<256x384xbf16>, vector<384x64xbf16>, vector<256x64xf32> -> vector<256x64xf32>
    %convert_element_type3A_199 = arith.truncf %exp3A_188 : vector<256x2048xf32> to vector<256x2048xbf16>
    %dot_general3A_200 = arith.constant dense<0.000000e+00> : vector<256x64xf32>
    %dot_general3A_201 = tpu.matmul %convert_element_type3A_199, %reshape3A_27, %dot_general3A_200 {dimension_numbers = #tpu.dot_dimension_numbers<[1], [0], [0], [1], [0, 0, 1, 1], [], []>, transpose_lhs_hint = false} : vector<256x2048xbf16>, vector<2048x64xbf16>, vector<256x64xf32> -> vector<256x64xf32>
    %add3A_202 = arith.addf %dot_general3A_198, %dot_general3A_201 : vector<256x64xf32>
    %div3A_203 = vector.broadcast %add3A_195 : vector<256x1xf32> to vector<256x64xf32>
    %div3A_204 = arith.divf %add3A_202, %div3A_203 : vector<256x64xf32>
    %slice3A_205 = vector.extract_strided_slice %reshape3A {offsets = [768, 0], sizes = [256, 64], strides = [1, 1]} : vector<2048x64xbf16> to vector<256x64xbf16>
    %slice3A_206 = vector.extract_strided_slice %reshape3A_9 {offsets = [704, 0], sizes = [384, 64], strides = [1, 1]} : vector<2048x64xbf16> to vector<384x64xbf16>
    %slice3A_207 = vector.extract_strided_slice %reshape3A_15 {offsets = [704, 0], sizes = [384, 64], strides = [1, 1]} : vector<2048x64xbf16> to vector<384x64xbf16>
    %iota3A_208 = tpu.iota {dimensions = array<i32: 0>} : vector<256x384xi32>
    %add3A_209 = arith.constant 768 : i32
    %add3A_210 = vector.broadcast %add3A_209 : i32 to vector<256x384xi32>
    %add3A_211 = arith.addi %add3A_210, %iota3A_208 : vector<256x384xi32>
    %iota3A_212 = tpu.iota {dimensions = array<i32: 1>} : vector<256x384xi32>
    %add3A_213 = arith.constant 704 : i32
    %add3A_214 = vector.broadcast %add3A_213 : i32 to vector<256x384xi32>
    %add3A_215 = arith.addi %add3A_214, %iota3A_212 : vector<256x384xi32>
    %sub3A_216 = arith.subi %add3A_215, %add3A_211 : vector<256x384xi32>
    %abs3A_217 = math.absi %sub3A_216 : vector<256x384xi32>
    %le3A_218 = arith.constant 8 : i32
    %le3A_219 = vector.broadcast %le3A_218 : i32 to vector<256x384xi32>
    %le3A_220 = arith.cmpi sle, %abs3A_217, %le3A_219 : vector<256x384xi32>
    %dot_general3A_221 = arith.constant dense<0.000000e+00> : vector<256x384xf32>
    %dot_general3A_222 = tpu.matmul %slice3A_205, %slice3A_206, %dot_general3A_221 {dimension_numbers = #tpu.dot_dimension_numbers<[1], [1], [0], [0], [0, 0, 1, 0], [], []>, transpose_lhs_hint = false} : vector<256x64xbf16>, vector<384x64xbf16>, vector<256x384xf32> -> vector<256x384xf32>
    %mul3A_223 = arith.constant 1.250000e-01 : f32
    %mul3A_224 = vector.broadcast %mul3A_223 : f32 to vector<256x384xf32>
    %mul3A_225 = arith.mulf %dot_general3A_222, %mul3A_224 : vector<256x384xf32>
    %jit3A_226 = arith.constant -1.000000e+30 : f32
    %broadcast_in_dim3A_227 = vector.broadcast %jit3A_226 : f32 to vector<256x384xf32>
    %select_n3A_228 = arith.select %le3A_220, %mul3A_225, %broadcast_in_dim3A_227 : vector<256x384xi1>, vector<256x384xf32>
    %dot_general3A_229 = arith.constant dense<0.000000e+00> : vector<256x2048xf32>
    %dot_general3A_230 = tpu.matmul %slice3A_205, %reshape3A_21, %dot_general3A_229 {dimension_numbers = #tpu.dot_dimension_numbers<[1], [1], [0], [0], [0, 0, 1, 0], [], []>, transpose_lhs_hint = false} : vector<256x64xbf16>, vector<2048x64xbf16>, vector<256x2048xf32> -> vector<256x2048xf32>
    %mul3A_231 = arith.constant 1.250000e-01 : f32
    %mul3A_232 = vector.broadcast %mul3A_231 : f32 to vector<256x2048xf32>
    %mul3A_233 = arith.mulf %dot_general3A_230, %mul3A_232 : vector<256x2048xf32>
    %jit3A_234 = arith.constant -1.000000e+30 : f32
    %broadcast_in_dim3A_235 = vector.shape_cast %gt3A_32 : vector<1x2048xi1> to vector<1x2048xi1>
    %broadcast_in_dim3A_236 = vector.broadcast %broadcast_in_dim3A_235 : vector<1x2048xi1> to vector<256x2048xi1>
    %broadcast_in_dim3A_237 = vector.broadcast %jit3A_234 : f32 to vector<256x2048xf32>
    %select_n3A_238 = arith.select %broadcast_in_dim3A_236, %mul3A_233, %broadcast_in_dim3A_237 : vector<256x2048xi1>, vector<256x2048xf32>
    %reduce_max3A_239 = arith.constant dense<0xFF800000> : vector<256xf32>
    %reduce_max3A_240 = vector.multi_reduction <maximumf>, %select_n3A_228, %reduce_max3A_239 [1] : vector<256x384xf32> to vector<256xf32>
    %broadcast_in_dim3A_241 = vector.shape_cast %reduce_max3A_240 : vector<256xf32> to vector<256x1xf32>
    %reduce_max3A_242 = arith.constant dense<0xFF800000> : vector<256xf32>
    %reduce_max3A_243 = vector.multi_reduction <maximumf>, %select_n3A_238, %reduce_max3A_242 [1] : vector<256x2048xf32> to vector<256xf32>
    %broadcast_in_dim3A_244 = vector.shape_cast %reduce_max3A_243 : vector<256xf32> to vector<256x1xf32>
    %max3A_245 = arith.maximumf %broadcast_in_dim3A_241, %broadcast_in_dim3A_244 : vector<256x1xf32>
    %sub3A_246 = vector.broadcast %max3A_245 : vector<256x1xf32> to vector<256x384xf32>
    %sub3A_247 = arith.subf %select_n3A_228, %sub3A_246 : vector<256x384xf32>
    %exp3A_248 = math.exp %sub3A_247 : vector<256x384xf32>
    %sub3A_249 = vector.broadcast %max3A_245 : vector<256x1xf32> to vector<256x2048xf32>
    %sub3A_250 = arith.subf %select_n3A_238, %sub3A_249 : vector<256x2048xf32>
    %exp3A_251 = math.exp %sub3A_250 : vector<256x2048xf32>
    %reduce_sum3A_252 = arith.constant dense<0.000000e+00> : vector<256xf32>
    %reduce_sum3A_253 = vector.multi_reduction <add>, %exp3A_248, %reduce_sum3A_252 [1] : vector<256x384xf32> to vector<256xf32>
    %broadcast_in_dim3A_254 = vector.shape_cast %reduce_sum3A_253 : vector<256xf32> to vector<256x1xf32>
    %reduce_sum3A_255 = arith.constant dense<0.000000e+00> : vector<256xf32>
    %reduce_sum3A_256 = vector.multi_reduction <add>, %exp3A_251, %reduce_sum3A_255 [1] : vector<256x2048xf32> to vector<256xf32>
    %broadcast_in_dim3A_257 = vector.shape_cast %reduce_sum3A_256 : vector<256xf32> to vector<256x1xf32>
    %add3A_258 = arith.addf %broadcast_in_dim3A_254, %broadcast_in_dim3A_257 : vector<256x1xf32>
    %convert_element_type3A_259 = arith.truncf %exp3A_248 : vector<256x384xf32> to vector<256x384xbf16>
    %dot_general3A_260 = arith.constant dense<0.000000e+00> : vector<256x64xf32>
    %dot_general3A_261 = tpu.matmul %convert_element_type3A_259, %slice3A_207, %dot_general3A_260 {dimension_numbers = #tpu.dot_dimension_numbers<[1], [0], [0], [1], [0, 0, 1, 1], [], []>, transpose_lhs_hint = false} : vector<256x384xbf16>, vector<384x64xbf16>, vector<256x64xf32> -> vector<256x64xf32>
    %convert_element_type3A_262 = arith.truncf %exp3A_251 : vector<256x2048xf32> to vector<256x2048xbf16>
    %dot_general3A_263 = arith.constant dense<0.000000e+00> : vector<256x64xf32>
    %dot_general3A_264 = tpu.matmul %convert_element_type3A_262, %reshape3A_27, %dot_general3A_263 {dimension_numbers = #tpu.dot_dimension_numbers<[1], [0], [0], [1], [0, 0, 1, 1], [], []>, transpose_lhs_hint = false} : vector<256x2048xbf16>, vector<2048x64xbf16>, vector<256x64xf32> -> vector<256x64xf32>
    %add3A_265 = arith.addf %dot_general3A_261, %dot_general3A_264 : vector<256x64xf32>
    %div3A_266 = vector.broadcast %add3A_258 : vector<256x1xf32> to vector<256x64xf32>
    %div3A_267 = arith.divf %add3A_265, %div3A_266 : vector<256x64xf32>
    %slice3A_268 = vector.extract_strided_slice %reshape3A {offsets = [1024, 0], sizes = [256, 64], strides = [1, 1]} : vector<2048x64xbf16> to vector<256x64xbf16>
    %slice3A_269 = vector.extract_strided_slice %reshape3A_9 {offsets = [960, 0], sizes = [384, 64], strides = [1, 1]} : vector<2048x64xbf16> to vector<384x64xbf16>
    %slice3A_270 = vector.extract_strided_slice %reshape3A_15 {offsets = [960, 0], sizes = [384, 64], strides = [1, 1]} : vector<2048x64xbf16> to vector<384x64xbf16>
    %iota3A_271 = tpu.iota {dimensions = array<i32: 0>} : vector<256x384xi32>
    %add3A_272 = arith.constant 1024 : i32
    %add3A_273 = vector.broadcast %add3A_272 : i32 to vector<256x384xi32>
    %add3A_274 = arith.addi %add3A_273, %iota3A_271 : vector<256x384xi32>
    %iota3A_275 = tpu.iota {dimensions = array<i32: 1>} : vector<256x384xi32>
    %add3A_276 = arith.constant 960 : i32
    %add3A_277 = vector.broadcast %add3A_276 : i32 to vector<256x384xi32>
    %add3A_278 = arith.addi %add3A_277, %iota3A_275 : vector<256x384xi32>
    %sub3A_279 = arith.subi %add3A_278, %add3A_274 : vector<256x384xi32>
    %abs3A_280 = math.absi %sub3A_279 : vector<256x384xi32>
    %le3A_281 = arith.constant 8 : i32
    %le3A_282 = vector.broadcast %le3A_281 : i32 to vector<256x384xi32>
    %le3A_283 = arith.cmpi sle, %abs3A_280, %le3A_282 : vector<256x384xi32>
    %dot_general3A_284 = arith.constant dense<0.000000e+00> : vector<256x384xf32>
    %dot_general3A_285 = tpu.matmul %slice3A_268, %slice3A_269, %dot_general3A_284 {dimension_numbers = #tpu.dot_dimension_numbers<[1], [1], [0], [0], [0, 0, 1, 0], [], []>, transpose_lhs_hint = false} : vector<256x64xbf16>, vector<384x64xbf16>, vector<256x384xf32> -> vector<256x384xf32>
    %mul3A_286 = arith.constant 1.250000e-01 : f32
    %mul3A_287 = vector.broadcast %mul3A_286 : f32 to vector<256x384xf32>
    %mul3A_288 = arith.mulf %dot_general3A_285, %mul3A_287 : vector<256x384xf32>
    %jit3A_289 = arith.constant -1.000000e+30 : f32
    %broadcast_in_dim3A_290 = vector.broadcast %jit3A_289 : f32 to vector<256x384xf32>
    %select_n3A_291 = arith.select %le3A_283, %mul3A_288, %broadcast_in_dim3A_290 : vector<256x384xi1>, vector<256x384xf32>
    %dot_general3A_292 = arith.constant dense<0.000000e+00> : vector<256x2048xf32>
    %dot_general3A_293 = tpu.matmul %slice3A_268, %reshape3A_21, %dot_general3A_292 {dimension_numbers = #tpu.dot_dimension_numbers<[1], [1], [0], [0], [0, 0, 1, 0], [], []>, transpose_lhs_hint = false} : vector<256x64xbf16>, vector<2048x64xbf16>, vector<256x2048xf32> -> vector<256x2048xf32>
    %mul3A_294 = arith.constant 1.250000e-01 : f32
    %mul3A_295 = vector.broadcast %mul3A_294 : f32 to vector<256x2048xf32>
    %mul3A_296 = arith.mulf %dot_general3A_293, %mul3A_295 : vector<256x2048xf32>
    %jit3A_297 = arith.constant -1.000000e+30 : f32
    %broadcast_in_dim3A_298 = vector.shape_cast %gt3A_32 : vector<1x2048xi1> to vector<1x2048xi1>
    %broadcast_in_dim3A_299 = vector.broadcast %broadcast_in_dim3A_298 : vector<1x2048xi1> to vector<256x2048xi1>
    %broadcast_in_dim3A_300 = vector.broadcast %jit3A_297 : f32 to vector<256x2048xf32>
    %select_n3A_301 = arith.select %broadcast_in_dim3A_299, %mul3A_296, %broadcast_in_dim3A_300 : vector<256x2048xi1>, vector<256x2048xf32>
    %reduce_max3A_302 = arith.constant dense<0xFF800000> : vector<256xf32>
    %reduce_max3A_303 = vector.multi_reduction <maximumf>, %select_n3A_291, %reduce_max3A_302 [1] : vector<256x384xf32> to vector<256xf32>
    %broadcast_in_dim3A_304 = vector.shape_cast %reduce_max3A_303 : vector<256xf32> to vector<256x1xf32>
    %reduce_max3A_305 = arith.constant dense<0xFF800000> : vector<256xf32>
    %reduce_max3A_306 = vector.multi_reduction <maximumf>, %select_n3A_301, %reduce_max3A_305 [1] : vector<256x2048xf32> to vector<256xf32>
    %broadcast_in_dim3A_307 = vector.shape_cast %reduce_max3A_306 : vector<256xf32> to vector<256x1xf32>
    %max3A_308 = arith.maximumf %broadcast_in_dim3A_304, %broadcast_in_dim3A_307 : vector<256x1xf32>
    %sub3A_309 = vector.broadcast %max3A_308 : vector<256x1xf32> to vector<256x384xf32>
    %sub3A_310 = arith.subf %select_n3A_291, %sub3A_309 : vector<256x384xf32>
    %exp3A_311 = math.exp %sub3A_310 : vector<256x384xf32>
    %sub3A_312 = vector.broadcast %max3A_308 : vector<256x1xf32> to vector<256x2048xf32>
    %sub3A_313 = arith.subf %select_n3A_301, %sub3A_312 : vector<256x2048xf32>
    %exp3A_314 = math.exp %sub3A_313 : vector<256x2048xf32>
    %reduce_sum3A_315 = arith.constant dense<0.000000e+00> : vector<256xf32>
    %reduce_sum3A_316 = vector.multi_reduction <add>, %exp3A_311, %reduce_sum3A_315 [1] : vector<256x384xf32> to vector<256xf32>
    %broadcast_in_dim3A_317 = vector.shape_cast %reduce_sum3A_316 : vector<256xf32> to vector<256x1xf32>
    %reduce_sum3A_318 = arith.constant dense<0.000000e+00> : vector<256xf32>
    %reduce_sum3A_319 = vector.multi_reduction <add>, %exp3A_314, %reduce_sum3A_318 [1] : vector<256x2048xf32> to vector<256xf32>
    %broadcast_in_dim3A_320 = vector.shape_cast %reduce_sum3A_319 : vector<256xf32> to vector<256x1xf32>
    %add3A_321 = arith.addf %broadcast_in_dim3A_317, %broadcast_in_dim3A_320 : vector<256x1xf32>
    %convert_element_type3A_322 = arith.truncf %exp3A_311 : vector<256x384xf32> to vector<256x384xbf16>
    %dot_general3A_323 = arith.constant dense<0.000000e+00> : vector<256x64xf32>
    %dot_general3A_324 = tpu.matmul %convert_element_type3A_322, %slice3A_270, %dot_general3A_323 {dimension_numbers = #tpu.dot_dimension_numbers<[1], [0], [0], [1], [0, 0, 1, 1], [], []>, transpose_lhs_hint = false} : vector<256x384xbf16>, vector<384x64xbf16>, vector<256x64xf32> -> vector<256x64xf32>
    %convert_element_type3A_325 = arith.truncf %exp3A_314 : vector<256x2048xf32> to vector<256x2048xbf16>
    %dot_general3A_326 = arith.constant dense<0.000000e+00> : vector<256x64xf32>
    %dot_general3A_327 = tpu.matmul %convert_element_type3A_325, %reshape3A_27, %dot_general3A_326 {dimension_numbers = #tpu.dot_dimension_numbers<[1], [0], [0], [1], [0, 0, 1, 1], [], []>, transpose_lhs_hint = false} : vector<256x2048xbf16>, vector<2048x64xbf16>, vector<256x64xf32> -> vector<256x64xf32>
    %add3A_328 = arith.addf %dot_general3A_324, %dot_general3A_327 : vector<256x64xf32>
    %div3A_329 = vector.broadcast %add3A_321 : vector<256x1xf32> to vector<256x64xf32>
    %div3A_330 = arith.divf %add3A_328, %div3A_329 : vector<256x64xf32>
    %slice3A_331 = vector.extract_strided_slice %reshape3A {offsets = [1280, 0], sizes = [256, 64], strides = [1, 1]} : vector<2048x64xbf16> to vector<256x64xbf16>
    %slice3A_332 = vector.extract_strided_slice %reshape3A_9 {offsets = [1216, 0], sizes = [384, 64], strides = [1, 1]} : vector<2048x64xbf16> to vector<384x64xbf16>
    %slice3A_333 = vector.extract_strided_slice %reshape3A_15 {offsets = [1216, 0], sizes = [384, 64], strides = [1, 1]} : vector<2048x64xbf16> to vector<384x64xbf16>
    %iota3A_334 = tpu.iota {dimensions = array<i32: 0>} : vector<256x384xi32>
    %add3A_335 = arith.constant 1280 : i32
    %add3A_336 = vector.broadcast %add3A_335 : i32 to vector<256x384xi32>
    %add3A_337 = arith.addi %add3A_336, %iota3A_334 : vector<256x384xi32>
    %iota3A_338 = tpu.iota {dimensions = array<i32: 1>} : vector<256x384xi32>
    %add3A_339 = arith.constant 1216 : i32
    %add3A_340 = vector.broadcast %add3A_339 : i32 to vector<256x384xi32>
    %add3A_341 = arith.addi %add3A_340, %iota3A_338 : vector<256x384xi32>
    %sub3A_342 = arith.subi %add3A_341, %add3A_337 : vector<256x384xi32>
    %abs3A_343 = math.absi %sub3A_342 : vector<256x384xi32>
    %le3A_344 = arith.constant 8 : i32
    %le3A_345 = vector.broadcast %le3A_344 : i32 to vector<256x384xi32>
    %le3A_346 = arith.cmpi sle, %abs3A_343, %le3A_345 : vector<256x384xi32>
    %dot_general3A_347 = arith.constant dense<0.000000e+00> : vector<256x384xf32>
    %dot_general3A_348 = tpu.matmul %slice3A_331, %slice3A_332, %dot_general3A_347 {dimension_numbers = #tpu.dot_dimension_numbers<[1], [1], [0], [0], [0, 0, 1, 0], [], []>, transpose_lhs_hint = false} : vector<256x64xbf16>, vector<384x64xbf16>, vector<256x384xf32> -> vector<256x384xf32>
    %mul3A_349 = arith.constant 1.250000e-01 : f32
    %mul3A_350 = vector.broadcast %mul3A_349 : f32 to vector<256x384xf32>
    %mul3A_351 = arith.mulf %dot_general3A_348, %mul3A_350 : vector<256x384xf32>
    %jit3A_352 = arith.constant -1.000000e+30 : f32
    %broadcast_in_dim3A_353 = vector.broadcast %jit3A_352 : f32 to vector<256x384xf32>
    %select_n3A_354 = arith.select %le3A_346, %mul3A_351, %broadcast_in_dim3A_353 : vector<256x384xi1>, vector<256x384xf32>
    %dot_general3A_355 = arith.constant dense<0.000000e+00> : vector<256x2048xf32>
    %dot_general3A_356 = tpu.matmul %slice3A_331, %reshape3A_21, %dot_general3A_355 {dimension_numbers = #tpu.dot_dimension_numbers<[1], [1], [0], [0], [0, 0, 1, 0], [], []>, transpose_lhs_hint = false} : vector<256x64xbf16>, vector<2048x64xbf16>, vector<256x2048xf32> -> vector<256x2048xf32>
    %mul3A_357 = arith.constant 1.250000e-01 : f32
    %mul3A_358 = vector.broadcast %mul3A_357 : f32 to vector<256x2048xf32>
    %mul3A_359 = arith.mulf %dot_general3A_356, %mul3A_358 : vector<256x2048xf32>
    %jit3A_360 = arith.constant -1.000000e+30 : f32
    %broadcast_in_dim3A_361 = vector.shape_cast %gt3A_32 : vector<1x2048xi1> to vector<1x2048xi1>
    %broadcast_in_dim3A_362 = vector.broadcast %broadcast_in_dim3A_361 : vector<1x2048xi1> to vector<256x2048xi1>
    %broadcast_in_dim3A_363 = vector.broadcast %jit3A_360 : f32 to vector<256x2048xf32>
    %select_n3A_364 = arith.select %broadcast_in_dim3A_362, %mul3A_359, %broadcast_in_dim3A_363 : vector<256x2048xi1>, vector<256x2048xf32>
    %reduce_max3A_365 = arith.constant dense<0xFF800000> : vector<256xf32>
    %reduce_max3A_366 = vector.multi_reduction <maximumf>, %select_n3A_354, %reduce_max3A_365 [1] : vector<256x384xf32> to vector<256xf32>
    %broadcast_in_dim3A_367 = vector.shape_cast %reduce_max3A_366 : vector<256xf32> to vector<256x1xf32>
    %reduce_max3A_368 = arith.constant dense<0xFF800000> : vector<256xf32>
    %reduce_max3A_369 = vector.multi_reduction <maximumf>, %select_n3A_364, %reduce_max3A_368 [1] : vector<256x2048xf32> to vector<256xf32>
    %broadcast_in_dim3A_370 = vector.shape_cast %reduce_max3A_369 : vector<256xf32> to vector<256x1xf32>
    %max3A_371 = arith.maximumf %broadcast_in_dim3A_367, %broadcast_in_dim3A_370 : vector<256x1xf32>
    %sub3A_372 = vector.broadcast %max3A_371 : vector<256x1xf32> to vector<256x384xf32>
    %sub3A_373 = arith.subf %select_n3A_354, %sub3A_372 : vector<256x384xf32>
    %exp3A_374 = math.exp %sub3A_373 : vector<256x384xf32>
    %sub3A_375 = vector.broadcast %max3A_371 : vector<256x1xf32> to vector<256x2048xf32>
    %sub3A_376 = arith.subf %select_n3A_364, %sub3A_375 : vector<256x2048xf32>
    %exp3A_377 = math.exp %sub3A_376 : vector<256x2048xf32>
    %reduce_sum3A_378 = arith.constant dense<0.000000e+00> : vector<256xf32>
    %reduce_sum3A_379 = vector.multi_reduction <add>, %exp3A_374, %reduce_sum3A_378 [1] : vector<256x384xf32> to vector<256xf32>
    %broadcast_in_dim3A_380 = vector.shape_cast %reduce_sum3A_379 : vector<256xf32> to vector<256x1xf32>
    %reduce_sum3A_381 = arith.constant dense<0.000000e+00> : vector<256xf32>
    %reduce_sum3A_382 = vector.multi_reduction <add>, %exp3A_377, %reduce_sum3A_381 [1] : vector<256x2048xf32> to vector<256xf32>
    %broadcast_in_dim3A_383 = vector.shape_cast %reduce_sum3A_382 : vector<256xf32> to vector<256x1xf32>
    %add3A_384 = arith.addf %broadcast_in_dim3A_380, %broadcast_in_dim3A_383 : vector<256x1xf32>
    %convert_element_type3A_385 = arith.truncf %exp3A_374 : vector<256x384xf32> to vector<256x384xbf16>
    %dot_general3A_386 = arith.constant dense<0.000000e+00> : vector<256x64xf32>
    %dot_general3A_387 = tpu.matmul %convert_element_type3A_385, %slice3A_333, %dot_general3A_386 {dimension_numbers = #tpu.dot_dimension_numbers<[1], [0], [0], [1], [0, 0, 1, 1], [], []>, transpose_lhs_hint = false} : vector<256x384xbf16>, vector<384x64xbf16>, vector<256x64xf32> -> vector<256x64xf32>
    %convert_element_type3A_388 = arith.truncf %exp3A_377 : vector<256x2048xf32> to vector<256x2048xbf16>
    %dot_general3A_389 = arith.constant dense<0.000000e+00> : vector<256x64xf32>
    %dot_general3A_390 = tpu.matmul %convert_element_type3A_388, %reshape3A_27, %dot_general3A_389 {dimension_numbers = #tpu.dot_dimension_numbers<[1], [0], [0], [1], [0, 0, 1, 1], [], []>, transpose_lhs_hint = false} : vector<256x2048xbf16>, vector<2048x64xbf16>, vector<256x64xf32> -> vector<256x64xf32>
    %add3A_391 = arith.addf %dot_general3A_387, %dot_general3A_390 : vector<256x64xf32>
    %div3A_392 = vector.broadcast %add3A_384 : vector<256x1xf32> to vector<256x64xf32>
    %div3A_393 = arith.divf %add3A_391, %div3A_392 : vector<256x64xf32>
    %slice3A_394 = vector.extract_strided_slice %reshape3A {offsets = [1536, 0], sizes = [256, 64], strides = [1, 1]} : vector<2048x64xbf16> to vector<256x64xbf16>
    %slice3A_395 = vector.extract_strided_slice %reshape3A_9 {offsets = [1472, 0], sizes = [384, 64], strides = [1, 1]} : vector<2048x64xbf16> to vector<384x64xbf16>
    %slice3A_396 = vector.extract_strided_slice %reshape3A_15 {offsets = [1472, 0], sizes = [384, 64], strides = [1, 1]} : vector<2048x64xbf16> to vector<384x64xbf16>
    %iota3A_397 = tpu.iota {dimensions = array<i32: 0>} : vector<256x384xi32>
    %add3A_398 = arith.constant 1536 : i32
    %add3A_399 = vector.broadcast %add3A_398 : i32 to vector<256x384xi32>
    %add3A_400 = arith.addi %add3A_399, %iota3A_397 : vector<256x384xi32>
    %iota3A_401 = tpu.iota {dimensions = array<i32: 1>} : vector<256x384xi32>
    %add3A_402 = arith.constant 1472 : i32
    %add3A_403 = vector.broadcast %add3A_402 : i32 to vector<256x384xi32>
    %add3A_404 = arith.addi %add3A_403, %iota3A_401 : vector<256x384xi32>
    %sub3A_405 = arith.subi %add3A_404, %add3A_400 : vector<256x384xi32>
    %abs3A_406 = math.absi %sub3A_405 : vector<256x384xi32>
    %le3A_407 = arith.constant 8 : i32
    %le3A_408 = vector.broadcast %le3A_407 : i32 to vector<256x384xi32>
    %le3A_409 = arith.cmpi sle, %abs3A_406, %le3A_408 : vector<256x384xi32>
    %dot_general3A_410 = arith.constant dense<0.000000e+00> : vector<256x384xf32>
    %dot_general3A_411 = tpu.matmul %slice3A_394, %slice3A_395, %dot_general3A_410 {dimension_numbers = #tpu.dot_dimension_numbers<[1], [1], [0], [0], [0, 0, 1, 0], [], []>, transpose_lhs_hint = false} : vector<256x64xbf16>, vector<384x64xbf16>, vector<256x384xf32> -> vector<256x384xf32>
    %mul3A_412 = arith.constant 1.250000e-01 : f32
    %mul3A_413 = vector.broadcast %mul3A_412 : f32 to vector<256x384xf32>
    %mul3A_414 = arith.mulf %dot_general3A_411, %mul3A_413 : vector<256x384xf32>
    %jit3A_415 = arith.constant -1.000000e+30 : f32
    %broadcast_in_dim3A_416 = vector.broadcast %jit3A_415 : f32 to vector<256x384xf32>
    %select_n3A_417 = arith.select %le3A_409, %mul3A_414, %broadcast_in_dim3A_416 : vector<256x384xi1>, vector<256x384xf32>
    %dot_general3A_418 = arith.constant dense<0.000000e+00> : vector<256x2048xf32>
    %dot_general3A_419 = tpu.matmul %slice3A_394, %reshape3A_21, %dot_general3A_418 {dimension_numbers = #tpu.dot_dimension_numbers<[1], [1], [0], [0], [0, 0, 1, 0], [], []>, transpose_lhs_hint = false} : vector<256x64xbf16>, vector<2048x64xbf16>, vector<256x2048xf32> -> vector<256x2048xf32>
    %mul3A_420 = arith.constant 1.250000e-01 : f32
    %mul3A_421 = vector.broadcast %mul3A_420 : f32 to vector<256x2048xf32>
    %mul3A_422 = arith.mulf %dot_general3A_419, %mul3A_421 : vector<256x2048xf32>
    %jit3A_423 = arith.constant -1.000000e+30 : f32
    %broadcast_in_dim3A_424 = vector.shape_cast %gt3A_32 : vector<1x2048xi1> to vector<1x2048xi1>
    %broadcast_in_dim3A_425 = vector.broadcast %broadcast_in_dim3A_424 : vector<1x2048xi1> to vector<256x2048xi1>
    %broadcast_in_dim3A_426 = vector.broadcast %jit3A_423 : f32 to vector<256x2048xf32>
    %select_n3A_427 = arith.select %broadcast_in_dim3A_425, %mul3A_422, %broadcast_in_dim3A_426 : vector<256x2048xi1>, vector<256x2048xf32>
    %reduce_max3A_428 = arith.constant dense<0xFF800000> : vector<256xf32>
    %reduce_max3A_429 = vector.multi_reduction <maximumf>, %select_n3A_417, %reduce_max3A_428 [1] : vector<256x384xf32> to vector<256xf32>
    %broadcast_in_dim3A_430 = vector.shape_cast %reduce_max3A_429 : vector<256xf32> to vector<256x1xf32>
    %reduce_max3A_431 = arith.constant dense<0xFF800000> : vector<256xf32>
    %reduce_max3A_432 = vector.multi_reduction <maximumf>, %select_n3A_427, %reduce_max3A_431 [1] : vector<256x2048xf32> to vector<256xf32>
    %broadcast_in_dim3A_433 = vector.shape_cast %reduce_max3A_432 : vector<256xf32> to vector<256x1xf32>
    %max3A_434 = arith.maximumf %broadcast_in_dim3A_430, %broadcast_in_dim3A_433 : vector<256x1xf32>
    %sub3A_435 = vector.broadcast %max3A_434 : vector<256x1xf32> to vector<256x384xf32>
    %sub3A_436 = arith.subf %select_n3A_417, %sub3A_435 : vector<256x384xf32>
    %exp3A_437 = math.exp %sub3A_436 : vector<256x384xf32>
    %sub3A_438 = vector.broadcast %max3A_434 : vector<256x1xf32> to vector<256x2048xf32>
    %sub3A_439 = arith.subf %select_n3A_427, %sub3A_438 : vector<256x2048xf32>
    %exp3A_440 = math.exp %sub3A_439 : vector<256x2048xf32>
    %reduce_sum3A_441 = arith.constant dense<0.000000e+00> : vector<256xf32>
    %reduce_sum3A_442 = vector.multi_reduction <add>, %exp3A_437, %reduce_sum3A_441 [1] : vector<256x384xf32> to vector<256xf32>
    %broadcast_in_dim3A_443 = vector.shape_cast %reduce_sum3A_442 : vector<256xf32> to vector<256x1xf32>
    %reduce_sum3A_444 = arith.constant dense<0.000000e+00> : vector<256xf32>
    %reduce_sum3A_445 = vector.multi_reduction <add>, %exp3A_440, %reduce_sum3A_444 [1] : vector<256x2048xf32> to vector<256xf32>
    %broadcast_in_dim3A_446 = vector.shape_cast %reduce_sum3A_445 : vector<256xf32> to vector<256x1xf32>
    %add3A_447 = arith.addf %broadcast_in_dim3A_443, %broadcast_in_dim3A_446 : vector<256x1xf32>
    %convert_element_type3A_448 = arith.truncf %exp3A_437 : vector<256x384xf32> to vector<256x384xbf16>
    %dot_general3A_449 = arith.constant dense<0.000000e+00> : vector<256x64xf32>
    %dot_general3A_450 = tpu.matmul %convert_element_type3A_448, %slice3A_396, %dot_general3A_449 {dimension_numbers = #tpu.dot_dimension_numbers<[1], [0], [0], [1], [0, 0, 1, 1], [], []>, transpose_lhs_hint = false} : vector<256x384xbf16>, vector<384x64xbf16>, vector<256x64xf32> -> vector<256x64xf32>
    %convert_element_type3A_451 = arith.truncf %exp3A_440 : vector<256x2048xf32> to vector<256x2048xbf16>
    %dot_general3A_452 = arith.constant dense<0.000000e+00> : vector<256x64xf32>
    %dot_general3A_453 = tpu.matmul %convert_element_type3A_451, %reshape3A_27, %dot_general3A_452 {dimension_numbers = #tpu.dot_dimension_numbers<[1], [0], [0], [1], [0, 0, 1, 1], [], []>, transpose_lhs_hint = false} : vector<256x2048xbf16>, vector<2048x64xbf16>, vector<256x64xf32> -> vector<256x64xf32>
    %add3A_454 = arith.addf %dot_general3A_450, %dot_general3A_453 : vector<256x64xf32>
    %div3A_455 = vector.broadcast %add3A_447 : vector<256x1xf32> to vector<256x64xf32>
    %div3A_456 = arith.divf %add3A_454, %div3A_455 : vector<256x64xf32>
    %slice3A_457 = vector.extract_strided_slice %reshape3A {offsets = [1792, 0], sizes = [256, 64], strides = [1, 1]} : vector<2048x64xbf16> to vector<256x64xbf16>
    %slice3A_458 = vector.extract_strided_slice %reshape3A_9 {offsets = [1664, 0], sizes = [384, 64], strides = [1, 1]} : vector<2048x64xbf16> to vector<384x64xbf16>
    %slice3A_459 = vector.extract_strided_slice %reshape3A_15 {offsets = [1664, 0], sizes = [384, 64], strides = [1, 1]} : vector<2048x64xbf16> to vector<384x64xbf16>
    %iota3A_460 = tpu.iota {dimensions = array<i32: 0>} : vector<256x384xi32>
    %add3A_461 = arith.constant 1792 : i32
    %add3A_462 = vector.broadcast %add3A_461 : i32 to vector<256x384xi32>
    %add3A_463 = arith.addi %add3A_462, %iota3A_460 : vector<256x384xi32>
    %iota3A_464 = tpu.iota {dimensions = array<i32: 1>} : vector<256x384xi32>
    %add3A_465 = arith.constant 1664 : i32
    %add3A_466 = vector.broadcast %add3A_465 : i32 to vector<256x384xi32>
    %add3A_467 = arith.addi %add3A_466, %iota3A_464 : vector<256x384xi32>
    %sub3A_468 = arith.subi %add3A_467, %add3A_463 : vector<256x384xi32>
    %abs3A_469 = math.absi %sub3A_468 : vector<256x384xi32>
    %le3A_470 = arith.constant 8 : i32
    %le3A_471 = vector.broadcast %le3A_470 : i32 to vector<256x384xi32>
    %le3A_472 = arith.cmpi sle, %abs3A_469, %le3A_471 : vector<256x384xi32>
    %dot_general3A_473 = arith.constant dense<0.000000e+00> : vector<256x384xf32>
    %dot_general3A_474 = tpu.matmul %slice3A_457, %slice3A_458, %dot_general3A_473 {dimension_numbers = #tpu.dot_dimension_numbers<[1], [1], [0], [0], [0, 0, 1, 0], [], []>, transpose_lhs_hint = false} : vector<256x64xbf16>, vector<384x64xbf16>, vector<256x384xf32> -> vector<256x384xf32>
    %mul3A_475 = arith.constant 1.250000e-01 : f32
    %mul3A_476 = vector.broadcast %mul3A_475 : f32 to vector<256x384xf32>
    %mul3A_477 = arith.mulf %dot_general3A_474, %mul3A_476 : vector<256x384xf32>
    %jit3A_478 = arith.constant -1.000000e+30 : f32
    %broadcast_in_dim3A_479 = vector.broadcast %jit3A_478 : f32 to vector<256x384xf32>
    %select_n3A_480 = arith.select %le3A_472, %mul3A_477, %broadcast_in_dim3A_479 : vector<256x384xi1>, vector<256x384xf32>
    %dot_general3A_481 = arith.constant dense<0.000000e+00> : vector<256x2048xf32>
    %dot_general3A_482 = tpu.matmul %slice3A_457, %reshape3A_21, %dot_general3A_481 {dimension_numbers = #tpu.dot_dimension_numbers<[1], [1], [0], [0], [0, 0, 1, 0], [], []>, transpose_lhs_hint = false} : vector<256x64xbf16>, vector<2048x64xbf16>, vector<256x2048xf32> -> vector<256x2048xf32>
    %mul3A_483 = arith.constant 1.250000e-01 : f32
    %mul3A_484 = vector.broadcast %mul3A_483 : f32 to vector<256x2048xf32>
    %mul3A_485 = arith.mulf %dot_general3A_482, %mul3A_484 : vector<256x2048xf32>
    %jit3A_486 = arith.constant -1.000000e+30 : f32
    %broadcast_in_dim3A_487 = vector.shape_cast %gt3A_32 : vector<1x2048xi1> to vector<1x2048xi1>
    %broadcast_in_dim3A_488 = vector.broadcast %broadcast_in_dim3A_487 : vector<1x2048xi1> to vector<256x2048xi1>
    %broadcast_in_dim3A_489 = vector.broadcast %jit3A_486 : f32 to vector<256x2048xf32>
    %select_n3A_490 = arith.select %broadcast_in_dim3A_488, %mul3A_485, %broadcast_in_dim3A_489 : vector<256x2048xi1>, vector<256x2048xf32>
    %reduce_max3A_491 = arith.constant dense<0xFF800000> : vector<256xf32>
    %reduce_max3A_492 = vector.multi_reduction <maximumf>, %select_n3A_480, %reduce_max3A_491 [1] : vector<256x384xf32> to vector<256xf32>
    %broadcast_in_dim3A_493 = vector.shape_cast %reduce_max3A_492 : vector<256xf32> to vector<256x1xf32>
    %reduce_max3A_494 = arith.constant dense<0xFF800000> : vector<256xf32>
    %reduce_max3A_495 = vector.multi_reduction <maximumf>, %select_n3A_490, %reduce_max3A_494 [1] : vector<256x2048xf32> to vector<256xf32>
    %broadcast_in_dim3A_496 = vector.shape_cast %reduce_max3A_495 : vector<256xf32> to vector<256x1xf32>
    %max3A_497 = arith.maximumf %broadcast_in_dim3A_493, %broadcast_in_dim3A_496 : vector<256x1xf32>
    %sub3A_498 = vector.broadcast %max3A_497 : vector<256x1xf32> to vector<256x384xf32>
    %sub3A_499 = arith.subf %select_n3A_480, %sub3A_498 : vector<256x384xf32>
    %exp3A_500 = math.exp %sub3A_499 : vector<256x384xf32>
    %sub3A_501 = vector.broadcast %max3A_497 : vector<256x1xf32> to vector<256x2048xf32>
    %sub3A_502 = arith.subf %select_n3A_490, %sub3A_501 : vector<256x2048xf32>
    %exp3A_503 = math.exp %sub3A_502 : vector<256x2048xf32>
    %reduce_sum3A_504 = arith.constant dense<0.000000e+00> : vector<256xf32>
    %reduce_sum3A_505 = vector.multi_reduction <add>, %exp3A_500, %reduce_sum3A_504 [1] : vector<256x384xf32> to vector<256xf32>
    %broadcast_in_dim3A_506 = vector.shape_cast %reduce_sum3A_505 : vector<256xf32> to vector<256x1xf32>
    %reduce_sum3A_507 = arith.constant dense<0.000000e+00> : vector<256xf32>
    %reduce_sum3A_508 = vector.multi_reduction <add>, %exp3A_503, %reduce_sum3A_507 [1] : vector<256x2048xf32> to vector<256xf32>
    %broadcast_in_dim3A_509 = vector.shape_cast %reduce_sum3A_508 : vector<256xf32> to vector<256x1xf32>
    %add3A_510 = arith.addf %broadcast_in_dim3A_506, %broadcast_in_dim3A_509 : vector<256x1xf32>
    %convert_element_type3A_511 = arith.truncf %exp3A_500 : vector<256x384xf32> to vector<256x384xbf16>
    %dot_general3A_512 = arith.constant dense<0.000000e+00> : vector<256x64xf32>
    %dot_general3A_513 = tpu.matmul %convert_element_type3A_511, %slice3A_459, %dot_general3A_512 {dimension_numbers = #tpu.dot_dimension_numbers<[1], [0], [0], [1], [0, 0, 1, 1], [], []>, transpose_lhs_hint = false} : vector<256x384xbf16>, vector<384x64xbf16>, vector<256x64xf32> -> vector<256x64xf32>
    %convert_element_type3A_514 = arith.truncf %exp3A_503 : vector<256x2048xf32> to vector<256x2048xbf16>
    %dot_general3A_515 = arith.constant dense<0.000000e+00> : vector<256x64xf32>
    %dot_general3A_516 = tpu.matmul %convert_element_type3A_514, %reshape3A_27, %dot_general3A_515 {dimension_numbers = #tpu.dot_dimension_numbers<[1], [0], [0], [1], [0, 0, 1, 1], [], []>, transpose_lhs_hint = false} : vector<256x2048xbf16>, vector<2048x64xbf16>, vector<256x64xf32> -> vector<256x64xf32>
    %add3A_517 = arith.addf %dot_general3A_513, %dot_general3A_516 : vector<256x64xf32>
    %div3A_518 = vector.broadcast %add3A_510 : vector<256x1xf32> to vector<256x64xf32>
    %div3A_519 = arith.divf %add3A_517, %div3A_518 : vector<256x64xf32>
    %concatenate3A = tpu.concatenate %div3A_78, %div3A_141, %div3A_204, %div3A_267, %div3A_330, %div3A_393, %div3A_456, %div3A_519 in 0 : vector<256x64xf32>, vector<256x64xf32>, vector<256x64xf32>, vector<256x64xf32>, vector<256x64xf32>, vector<256x64xf32>, vector<256x64xf32>, vector<256x64xf32> -> vector<2048x64xf32>
    %convert_element_type3A_520 = arith.truncf %concatenate3A : vector<2048x64xf32> to vector<2048x64xbf16>
    %get3A_521 = arith.constant 0 : index
    %get3A_522 = arith.constant 0 : index
    %get3A_523 = vector.load %arg7[%get3A_521, %get3A_522] : memref<64x1024xbf16, #tpu.memory_space<vmem>>, vector<64x1024xbf16>
    %dot_general3A_524 = arith.constant dense<0.000000e+00> : vector<2048x1024xf32>
    %dot_general3A_525 = tpu.matmul %convert_element_type3A_520, %get3A_523, %dot_general3A_524 {dimension_numbers = #tpu.dot_dimension_numbers<[1], [0], [0], [1], [0, 0, 1, 1], [], []>, transpose_lhs_hint = false} : vector<2048x64xbf16>, vector<64x1024xbf16>, vector<2048x1024xf32> -> vector<2048x1024xf32>
    %eq3A = arith.constant 0 : i32
    %eq3A_526 = arith.cmpi eq, %arg0, %eq3A : i32
    %convert_element_type3A_527 = arith.extui %eq3A_526 : i1 to i32
    %cond3A = arith.constant 0 : i32
    %cond3A_528 = arith.cmpi ne, %convert_element_type3A_527, %cond3A : i32
    scf.if %cond3A_528 {
      %get3A_533 = arith.constant 0 : index
      %get3A_534 = arith.constant 0 : index
      %get3A_535 = vector.load %arg8[%get3A_533, %get3A_534] : memref<1x1024xf32, #tpu.memory_space<vmem>>, vector<1x1024xf32>
      %add3A_536 = vector.broadcast %get3A_535 : vector<1x1024xf32> to vector<2048x1024xf32>
      %add3A_537 = arith.addf %dot_general3A_525, %add3A_536 : vector<2048x1024xf32>
      %swap3A = arith.constant 0 : index
      %swap3A_538 = arith.constant 0 : index
      %swap3A_539 = vector.load %arg9[%swap3A, %swap3A_538] : memref<2048x1024xf32, #tpu.memory_space<vmem>>, vector<2048x1024xf32>
      tpu.vector_store %arg9[%swap3A, %swap3A_538], %add3A_537 {strides = array<i32>} : memref<2048x1024xf32, #tpu.memory_space<vmem>>, vector<2048x1024xf32>,
    } else {
    }
    %ne3A = arith.constant 0 : i32
    %ne3A_529 = arith.cmpi ne, %arg0, %ne3A : i32
    %convert_element_type3A_530 = arith.extui %ne3A_529 : i1 to i32
    %cond3A_531 = arith.constant 0 : i32
    %cond3A_532 = arith.cmpi ne, %convert_element_type3A_530, %cond3A_531 : i32
    scf.if %cond3A_532 {
      %get3A_533 = arith.constant 0 : index
      %get3A_534 = arith.constant 0 : index
      %get3A_535 = vector.load %arg9[%get3A_533, %get3A_534] : memref<2048x1024xf32, #tpu.memory_space<vmem>>, vector<2048x1024xf32>
      %add3A_536 = arith.addf %get3A_535, %dot_general3A_525 : vector<2048x1024xf32>
      %swap3A = arith.constant 0 : index
      %swap3A_537 = arith.constant 0 : index
      %swap3A_538 = vector.load %arg9[%swap3A, %swap3A_537] : memref<2048x1024xf32, #tpu.memory_space<vmem>>, vector<2048x1024xf32>
      tpu.vector_store %arg9[%swap3A, %swap3A_537], %add3A_536 {strides = array<i32>} : memref<2048x1024xf32, #tpu.memory_space<vmem>>, vector<2048x1024xf32>,
    } else {
    }
    return
  }
  func.func @transform_0(%arg0: i32) -> (i32, i32, i32, i32) {
    %c0_i32 = arith.constant 0 : i32
    %c0_i32_0 = arith.constant 0 : i32
    %c0_i32_1 = arith.constant 0 : i32
    %c0_i32_2 = arith.constant 0 : i32
    return %c0_i32, %arg0, %c0_i32_0, %c0_i32_1 : i32, i32, i32, i32
  }
  func.func @transform_1(%arg0: i32) -> (i32, i32, i32, i32) {
    %add3A = arith.constant 16 : i32
    %add3A_0 = arith.addi %add3A, %arg0 : i32
    %c0_i32 = arith.constant 0 : i32
    %c0_i32_1 = arith.constant 0 : i32
    %c0_i32_2 = arith.constant 0 : i32
    %c0_i32_3 = arith.constant 0 : i32
    return %c0_i32, %add3A_0, %c0_i32_1, %c0_i32_2 : i32, i32, i32, i32
  }
  func.func @transform_2(%arg0: i32) -> (i32, i32, i32, i32) {
    %add3A = arith.constant 32 : i32
    %add3A_0 = arith.addi %add3A, %arg0 : i32
    %c0_i32 = arith.constant 0 : i32
    %c0_i32_1 = arith.constant 0 : i32
    %c0_i32_2 = arith.constant 0 : i32
    %c0_i32_3 = arith.constant 0 : i32
    return %c0_i32, %add3A_0, %c0_i32_1, %c0_i32_2 : i32, i32, i32, i32
  }
  func.func @transform_3(%arg0: i32) -> (i32, i32, i32, i32) {
    %add3A = arith.constant 16 : i32
    %add3A_0 = arith.addi %add3A, %arg0 : i32
    %c0_i32 = arith.constant 0 : i32
    %c0_i32_1 = arith.constant 0 : i32
    %c0_i32_2 = arith.constant 0 : i32
    %c0_i32_3 = arith.constant 0 : i32
    return %c0_i32, %add3A_0, %c0_i32_1, %c0_i32_2 : i32, i32, i32, i32
  }
  func.func @transform_4(%arg0: i32) -> (i32, i32, i32, i32) {
    %add3A = arith.constant 32 : i32
    %add3A_0 = arith.addi %add3A, %arg0 : i32
    %c0_i32 = arith.constant 0 : i32
    %c0_i32_1 = arith.constant 0 : i32
    %c0_i32_2 = arith.constant 0 : i32
    %c0_i32_3 = arith.constant 0 : i32
    return %c0_i32, %add3A_0, %c0_i32_1, %c0_i32_2 : i32, i32, i32, i32
  }
  func.func @transform_5(%arg0: i32) -> (i32, i32) {
    %c0_i32 = arith.constant 0 : i32
    %c0_i32_0 = arith.constant 0 : i32
    %c0_i32_1 = arith.constant 0 : i32
    return %c0_i32, %c0_i32_0 : i32, i32
  }
  func.func @transform_6(%arg0: i32) -> (i32, i32) {
    %c0_i32 = arith.constant 0 : i32
    %c0_i32_0 = arith.constant 0 : i32
    return %arg0, %c0_i32 : i32, i32
  }
  func.func @transform_7(%arg0: i32) -> (i32, i32) {
    %c0_i32 = arith.constant 0 : i32
    %c0_i32_0 = arith.constant 0 : i32
    %c0_i32_1 = arith.constant 0 : i32
    return %c0_i32, %c0_i32_0 : i32, i32
  }
  func.func @transform_8(%arg0: i32) -> (i32, i32) {
    %c0_i32 = arith.constant 0 : i32
    %c0_i32_0 = arith.constant 0 : i32
    %c0_i32_1 = arith.constant 0 : i32
    return %c0_i32, %c0_i32_0 : i32, i32
  }
}

module attributes {stable_mosaic.version = 14 : i64} {
  func.func @_attn_kernel(%arg0: i32, %arg1: memref<2048x1x1x64xbf16, #tpu.memory_space<vmem>>, %arg2: memref<2048x1x1x64xbf16, #tpu.memory_space<vmem>>, %arg3: memref<2048x1x1x64xbf16, #tpu.memory_space<vmem>>, %arg4: memref<128x1x1x64xbf16, #tpu.memory_space<vmem>>, %arg5: memref<128x1x1x64xbf16, #tpu.memory_space<vmem>>, %arg6: memref<1x128xf32, #tpu.memory_space<vmem>>, %arg7: memref<64x1024xbf16, #tpu.memory_space<vmem>>, %arg8: memref<1x1024xf32, #tpu.memory_space<vmem>>, %arg9: memref<2048x1024xf32, #tpu.memory_space<vmem>>) attributes {dimension_semantics = [#tpu.dimension_semantics<arbitrary>], iteration_bounds = array<i64: 16>, scalar_prefetch = 0 : i64, scratch_operands = 0 : i64, tpu.core_type = #tpu.core_type<tc>, window_params = [{transform_indices = @transform_0, window_bounds = array<i64: 2048, 1, 1, 64>}, {transform_indices = @transform_1, window_bounds = array<i64: 2048, 1, 1, 64>}, {transform_indices = @transform_2, window_bounds = array<i64: 2048, 1, 1, 64>}, {transform_indices = @transform_3, window_bounds = array<i64: 128, 1, 1, 64>}, {transform_indices = @transform_4, window_bounds = array<i64: 128, 1, 1, 64>}, {pipeline_mode = #tpu.pipeline_mode<synchronous>, transform_indices = @transform_5, window_bounds = array<i64: 1, 128>}, {transform_indices = @transform_6, window_bounds = array<i64: 64, 1024>}, {pipeline_mode = #tpu.pipeline_mode<synchronous>, transform_indices = @transform_7, window_bounds = array<i64: 1, 1024>}, {pipeline_mode = #tpu.pipeline_mode<synchronous>, transform_indices = @transform_8, window_bounds = array<i64: 2048, 1024>}]} {
    %get3A = arith.constant 0 : index
    %get3A_0 = arith.constant 0 : index
    %get3A_1 = arith.constant 0 : index
    %get3A_2 = arith.constant 0 : index
    %get3A_3 = vector.load %arg1[%get3A, %get3A_0, %get3A_1, %get3A_2] : memref<2048x1x1x64xbf16, #tpu.memory_space<vmem>>, vector<2048x1x1x64xbf16>
    %reshape3A = vector.shape_cast %get3A_3 : vector<2048x1x1x64xbf16> to vector<2048x64xbf16>
    %get3A_4 = arith.constant 0 : index
    %get3A_5 = arith.constant 0 : index
    %get3A_6 = arith.constant 0 : index
    %get3A_7 = arith.constant 0 : index
    %get3A_8 = vector.load %arg2[%get3A_4, %get3A_5, %get3A_6, %get3A_7] : memref<2048x1x1x64xbf16, #tpu.memory_space<vmem>>, vector<2048x1x1x64xbf16>
    %reshape3A_9 = vector.shape_cast %get3A_8 : vector<2048x1x1x64xbf16> to vector<2048x64xbf16>
    %get3A_10 = arith.constant 0 : index
    %get3A_11 = arith.constant 0 : index
    %get3A_12 = arith.constant 0 : index
    %get3A_13 = arith.constant 0 : index
    %get3A_14 = vector.load %arg3[%get3A_10, %get3A_11, %get3A_12, %get3A_13] : memref<2048x1x1x64xbf16, #tpu.memory_space<vmem>>, vector<2048x1x1x64xbf16>
    %reshape3A_15 = vector.shape_cast %get3A_14 : vector<2048x1x1x64xbf16> to vector<2048x64xbf16>
    %get3A_16 = arith.constant 0 : index
    %get3A_17 = arith.constant 0 : index
    %get3A_18 = arith.constant 0 : index
    %get3A_19 = arith.constant 0 : index
    %get3A_20 = vector.load %arg4[%get3A_16, %get3A_17, %get3A_18, %get3A_19] : memref<128x1x1x64xbf16, #tpu.memory_space<vmem>>, vector<128x1x1x64xbf16>
    %reshape3A_21 = vector.shape_cast %get3A_20 : vector<128x1x1x64xbf16> to vector<128x64xbf16>
    %get3A_22 = arith.constant 0 : index
    %get3A_23 = arith.constant 0 : index
    %get3A_24 = arith.constant 0 : index
    %get3A_25 = arith.constant 0 : index
    %get3A_26 = vector.load %arg5[%get3A_22, %get3A_23, %get3A_24, %get3A_25] : memref<128x1x1x64xbf16, #tpu.memory_space<vmem>>, vector<128x1x1x64xbf16>
    %reshape3A_27 = vector.shape_cast %get3A_26 : vector<128x1x1x64xbf16> to vector<128x64xbf16>
    %get3A_28 = arith.constant 0 : index
    %get3A_29 = arith.constant 0 : index
    %get3A_30 = vector.load %arg6[%get3A_28, %get3A_29] : memref<1x128xf32, #tpu.memory_space<vmem>>, vector<1x128xf32>
    %gt3A = arith.constant 0.000000e+00 : f32
    %gt3A_31 = vector.broadcast %gt3A : f32 to vector<1x128xf32>
    %gt3A_32 = arith.cmpf ogt, %get3A_30, %gt3A_31 : vector<1x128xf32>
    %slice3A = vector.extract_strided_slice %reshape3A {offsets = [0, 0], sizes = [256, 64], strides = [1, 1]} : vector<2048x64xbf16> to vector<256x64xbf16>
    %slice3A_33 = vector.extract_strided_slice %reshape3A_9 {offsets = [0, 0], sizes = [384, 64], strides = [1, 1]} : vector<2048x64xbf16> to vector<384x64xbf16>
    %slice3A_34 = vector.extract_strided_slice %reshape3A_15 {offsets = [0, 0], sizes = [384, 64], strides = [1, 1]} : vector<2048x64xbf16> to vector<384x64xbf16>
    %iota3A = tpu.iota {dimensions = array<i32: 0>} : vector<256x384xi32>
    %add3A = arith.constant 0 : i32
    %add3A_35 = vector.broadcast %add3A : i32 to vector<256x384xi32>
    %add3A_36 = arith.addi %add3A_35, %iota3A : vector<256x384xi32>
    %iota3A_37 = tpu.iota {dimensions = array<i32: 1>} : vector<256x384xi32>
    %add3A_38 = arith.constant 0 : i32
    %add3A_39 = vector.broadcast %add3A_38 : i32 to vector<256x384xi32>
    %add3A_40 = arith.addi %add3A_39, %iota3A_37 : vector<256x384xi32>
    %sub3A = arith.subi %add3A_40, %add3A_36 : vector<256x384xi32>
    %abs3A = math.absi %sub3A : vector<256x384xi32>
    %le3A = arith.constant 8 : i32
    %le3A_41 = vector.broadcast %le3A : i32 to vector<256x384xi32>
    %le3A_42 = arith.cmpi sle, %abs3A, %le3A_41 : vector<256x384xi32>
    %dot_general3A = arith.constant dense<0.000000e+00> : vector<256x384xf32>
    %dot_general3A_43 = tpu.matmul %slice3A, %slice3A_33, %dot_general3A {dimension_numbers = #tpu.dot_dimension_numbers<[1], [1], [0], [0], [0, 0, 1, 0], [], []>, transpose_lhs_hint = false} : vector<256x64xbf16>, vector<384x64xbf16>, vector<256x384xf32> -> vector<256x384xf32>
    %mul3A = arith.constant 1.250000e-01 : f32
    %mul3A_44 = vector.broadcast %mul3A : f32 to vector<256x384xf32>
    %mul3A_45 = arith.mulf %dot_general3A_43, %mul3A_44 : vector<256x384xf32>
    %jit3A = arith.constant -1.000000e+30 : f32
    %broadcast_in_dim3A = vector.broadcast %jit3A : f32 to vector<256x384xf32>
    %select_n3A = arith.select %le3A_42, %mul3A_45, %broadcast_in_dim3A : vector<256x384xi1>, vector<256x384xf32>
    %dot_general3A_46 = arith.constant dense<0.000000e+00> : vector<256x128xf32>
    %dot_general3A_47 = tpu.matmul %slice3A, %reshape3A_21, %dot_general3A_46 {dimension_numbers = #tpu.dot_dimension_numbers<[1], [1], [0], [0], [0, 0, 1, 0], [], []>, transpose_lhs_hint = false} : vector<256x64xbf16>, vector<128x64xbf16>, vector<256x128xf32> -> vector<256x128xf32>
    %mul3A_48 = arith.constant 1.250000e-01 : f32
    %mul3A_49 = vector.broadcast %mul3A_48 : f32 to vector<256x128xf32>
    %mul3A_50 = arith.mulf %dot_general3A_47, %mul3A_49 : vector<256x128xf32>
    %jit3A_51 = arith.constant -1.000000e+30 : f32
    %broadcast_in_dim3A_52 = vector.shape_cast %gt3A_32 : vector<1x128xi1> to vector<1x128xi1>
    %broadcast_in_dim3A_53 = vector.broadcast %broadcast_in_dim3A_52 : vector<1x128xi1> to vector<256x128xi1>
    %broadcast_in_dim3A_54 = vector.broadcast %jit3A_51 : f32 to vector<256x128xf32>
    %select_n3A_55 = arith.select %broadcast_in_dim3A_53, %mul3A_50, %broadcast_in_dim3A_54 : vector<256x128xi1>, vector<256x128xf32>
    %reduce_max3A = arith.constant dense<0xFF800000> : vector<256xf32>
    %reduce_max3A_56 = vector.multi_reduction <maximumf>, %select_n3A, %reduce_max3A [1] : vector<256x384xf32> to vector<256xf32>
    %broadcast_in_dim3A_57 = vector.shape_cast %reduce_max3A_56 : vector<256xf32> to vector<256x1xf32>
    %reduce_max3A_58 = arith.constant dense<0xFF800000> : vector<256xf32>
    %reduce_max3A_59 = vector.multi_reduction <maximumf>, %select_n3A_55, %reduce_max3A_58 [1] : vector<256x128xf32> to vector<256xf32>
    %broadcast_in_dim3A_60 = vector.shape_cast %reduce_max3A_59 : vector<256xf32> to vector<256x1xf32>
    %max3A = arith.maximumf %broadcast_in_dim3A_57, %broadcast_in_dim3A_60 : vector<256x1xf32>
    %sub3A_61 = vector.broadcast %max3A : vector<256x1xf32> to vector<256x384xf32>
    %sub3A_62 = arith.subf %select_n3A, %sub3A_61 : vector<256x384xf32>
    %exp3A = math.exp %sub3A_62 : vector<256x384xf32>
    %sub3A_63 = vector.broadcast %max3A : vector<256x1xf32> to vector<256x128xf32>
    %sub3A_64 = arith.subf %select_n3A_55, %sub3A_63 : vector<256x128xf32>
    %exp3A_65 = math.exp %sub3A_64 : vector<256x128xf32>
    %reduce_sum3A = arith.constant dense<0.000000e+00> : vector<256xf32>
    %reduce_sum3A_66 = vector.multi_reduction <add>, %exp3A, %reduce_sum3A [1] : vector<256x384xf32> to vector<256xf32>
    %broadcast_in_dim3A_67 = vector.shape_cast %reduce_sum3A_66 : vector<256xf32> to vector<256x1xf32>
    %reduce_sum3A_68 = arith.constant dense<0.000000e+00> : vector<256xf32>
    %reduce_sum3A_69 = vector.multi_reduction <add>, %exp3A_65, %reduce_sum3A_68 [1] : vector<256x128xf32> to vector<256xf32>
    %broadcast_in_dim3A_70 = vector.shape_cast %reduce_sum3A_69 : vector<256xf32> to vector<256x1xf32>
    %add3A_71 = arith.addf %broadcast_in_dim3A_67, %broadcast_in_dim3A_70 : vector<256x1xf32>
    %convert_element_type3A = arith.truncf %exp3A : vector<256x384xf32> to vector<256x384xbf16>
    %dot_general3A_72 = arith.constant dense<0.000000e+00> : vector<256x64xf32>
    %dot_general3A_73 = tpu.matmul %convert_element_type3A, %slice3A_34, %dot_general3A_72 {dimension_numbers = #tpu.dot_dimension_numbers<[1], [0], [0], [1], [0, 0, 1, 1], [], []>, transpose_lhs_hint = false} : vector<256x384xbf16>, vector<384x64xbf16>, vector<256x64xf32> -> vector<256x64xf32>
    %convert_element_type3A_74 = arith.truncf %exp3A_65 : vector<256x128xf32> to vector<256x128xbf16>
    %dot_general3A_75 = arith.constant dense<0.000000e+00> : vector<256x64xf32>
    %dot_general3A_76 = tpu.matmul %convert_element_type3A_74, %reshape3A_27, %dot_general3A_75 {dimension_numbers = #tpu.dot_dimension_numbers<[1], [0], [0], [1], [0, 0, 1, 1], [], []>, transpose_lhs_hint = false} : vector<256x128xbf16>, vector<128x64xbf16>, vector<256x64xf32> -> vector<256x64xf32>
    %add3A_77 = arith.addf %dot_general3A_73, %dot_general3A_76 : vector<256x64xf32>
    %div3A = vector.broadcast %add3A_71 : vector<256x1xf32> to vector<256x64xf32>
    %div3A_78 = arith.divf %add3A_77, %div3A : vector<256x64xf32>
    %slice3A_79 = vector.extract_strided_slice %reshape3A {offsets = [256, 0], sizes = [256, 64], strides = [1, 1]} : vector<2048x64xbf16> to vector<256x64xbf16>
    %slice3A_80 = vector.extract_strided_slice %reshape3A_9 {offsets = [192, 0], sizes = [384, 64], strides = [1, 1]} : vector<2048x64xbf16> to vector<384x64xbf16>
    %slice3A_81 = vector.extract_strided_slice %reshape3A_15 {offsets = [192, 0], sizes = [384, 64], strides = [1, 1]} : vector<2048x64xbf16> to vector<384x64xbf16>
    %iota3A_82 = tpu.iota {dimensions = array<i32: 0>} : vector<256x384xi32>
    %add3A_83 = arith.constant 256 : i32
    %add3A_84 = vector.broadcast %add3A_83 : i32 to vector<256x384xi32>
    %add3A_85 = arith.addi %add3A_84, %iota3A_82 : vector<256x384xi32>
    %iota3A_86 = tpu.iota {dimensions = array<i32: 1>} : vector<256x384xi32>
    %add3A_87 = arith.constant 192 : i32
    %add3A_88 = vector.broadcast %add3A_87 : i32 to vector<256x384xi32>
    %add3A_89 = arith.addi %add3A_88, %iota3A_86 : vector<256x384xi32>
    %sub3A_90 = arith.subi %add3A_89, %add3A_85 : vector<256x384xi32>
    %abs3A_91 = math.absi %sub3A_90 : vector<256x384xi32>
    %le3A_92 = arith.constant 8 : i32
    %le3A_93 = vector.broadcast %le3A_92 : i32 to vector<256x384xi32>
    %le3A_94 = arith.cmpi sle, %abs3A_91, %le3A_93 : vector<256x384xi32>
    %dot_general3A_95 = arith.constant dense<0.000000e+00> : vector<256x384xf32>
    %dot_general3A_96 = tpu.matmul %slice3A_79, %slice3A_80, %dot_general3A_95 {dimension_numbers = #tpu.dot_dimension_numbers<[1], [1], [0], [0], [0, 0, 1, 0], [], []>, transpose_lhs_hint = false} : vector<256x64xbf16>, vector<384x64xbf16>, vector<256x384xf32> -> vector<256x384xf32>
    %mul3A_97 = arith.constant 1.250000e-01 : f32
    %mul3A_98 = vector.broadcast %mul3A_97 : f32 to vector<256x384xf32>
    %mul3A_99 = arith.mulf %dot_general3A_96, %mul3A_98 : vector<256x384xf32>
    %jit3A_100 = arith.constant -1.000000e+30 : f32
    %broadcast_in_dim3A_101 = vector.broadcast %jit3A_100 : f32 to vector<256x384xf32>
    %select_n3A_102 = arith.select %le3A_94, %mul3A_99, %broadcast_in_dim3A_101 : vector<256x384xi1>, vector<256x384xf32>
    %dot_general3A_103 = arith.constant dense<0.000000e+00> : vector<256x128xf32>
    %dot_general3A_104 = tpu.matmul %slice3A_79, %reshape3A_21, %dot_general3A_103 {dimension_numbers = #tpu.dot_dimension_numbers<[1], [1], [0], [0], [0, 0, 1, 0], [], []>, transpose_lhs_hint = false} : vector<256x64xbf16>, vector<128x64xbf16>, vector<256x128xf32> -> vector<256x128xf32>
    %mul3A_105 = arith.constant 1.250000e-01 : f32
    %mul3A_106 = vector.broadcast %mul3A_105 : f32 to vector<256x128xf32>
    %mul3A_107 = arith.mulf %dot_general3A_104, %mul3A_106 : vector<256x128xf32>
    %jit3A_108 = arith.constant -1.000000e+30 : f32
    %broadcast_in_dim3A_109 = vector.shape_cast %gt3A_32 : vector<1x128xi1> to vector<1x128xi1>
    %broadcast_in_dim3A_110 = vector.broadcast %broadcast_in_dim3A_109 : vector<1x128xi1> to vector<256x128xi1>
    %broadcast_in_dim3A_111 = vector.broadcast %jit3A_108 : f32 to vector<256x128xf32>
    %select_n3A_112 = arith.select %broadcast_in_dim3A_110, %mul3A_107, %broadcast_in_dim3A_111 : vector<256x128xi1>, vector<256x128xf32>
    %reduce_max3A_113 = arith.constant dense<0xFF800000> : vector<256xf32>
    %reduce_max3A_114 = vector.multi_reduction <maximumf>, %select_n3A_102, %reduce_max3A_113 [1] : vector<256x384xf32> to vector<256xf32>
    %broadcast_in_dim3A_115 = vector.shape_cast %reduce_max3A_114 : vector<256xf32> to vector<256x1xf32>
    %reduce_max3A_116 = arith.constant dense<0xFF800000> : vector<256xf32>
    %reduce_max3A_117 = vector.multi_reduction <maximumf>, %select_n3A_112, %reduce_max3A_116 [1] : vector<256x128xf32> to vector<256xf32>
    %broadcast_in_dim3A_118 = vector.shape_cast %reduce_max3A_117 : vector<256xf32> to vector<256x1xf32>
    %max3A_119 = arith.maximumf %broadcast_in_dim3A_115, %broadcast_in_dim3A_118 : vector<256x1xf32>
    %sub3A_120 = vector.broadcast %max3A_119 : vector<256x1xf32> to vector<256x384xf32>
    %sub3A_121 = arith.subf %select_n3A_102, %sub3A_120 : vector<256x384xf32>
    %exp3A_122 = math.exp %sub3A_121 : vector<256x384xf32>
    %sub3A_123 = vector.broadcast %max3A_119 : vector<256x1xf32> to vector<256x128xf32>
    %sub3A_124 = arith.subf %select_n3A_112, %sub3A_123 : vector<256x128xf32>
    %exp3A_125 = math.exp %sub3A_124 : vector<256x128xf32>
    %reduce_sum3A_126 = arith.constant dense<0.000000e+00> : vector<256xf32>
    %reduce_sum3A_127 = vector.multi_reduction <add>, %exp3A_122, %reduce_sum3A_126 [1] : vector<256x384xf32> to vector<256xf32>
    %broadcast_in_dim3A_128 = vector.shape_cast %reduce_sum3A_127 : vector<256xf32> to vector<256x1xf32>
    %reduce_sum3A_129 = arith.constant dense<0.000000e+00> : vector<256xf32>
    %reduce_sum3A_130 = vector.multi_reduction <add>, %exp3A_125, %reduce_sum3A_129 [1] : vector<256x128xf32> to vector<256xf32>
    %broadcast_in_dim3A_131 = vector.shape_cast %reduce_sum3A_130 : vector<256xf32> to vector<256x1xf32>
    %add3A_132 = arith.addf %broadcast_in_dim3A_128, %broadcast_in_dim3A_131 : vector<256x1xf32>
    %convert_element_type3A_133 = arith.truncf %exp3A_122 : vector<256x384xf32> to vector<256x384xbf16>
    %dot_general3A_134 = arith.constant dense<0.000000e+00> : vector<256x64xf32>
    %dot_general3A_135 = tpu.matmul %convert_element_type3A_133, %slice3A_81, %dot_general3A_134 {dimension_numbers = #tpu.dot_dimension_numbers<[1], [0], [0], [1], [0, 0, 1, 1], [], []>, transpose_lhs_hint = false} : vector<256x384xbf16>, vector<384x64xbf16>, vector<256x64xf32> -> vector<256x64xf32>
    %convert_element_type3A_136 = arith.truncf %exp3A_125 : vector<256x128xf32> to vector<256x128xbf16>
    %dot_general3A_137 = arith.constant dense<0.000000e+00> : vector<256x64xf32>
    %dot_general3A_138 = tpu.matmul %convert_element_type3A_136, %reshape3A_27, %dot_general3A_137 {dimension_numbers = #tpu.dot_dimension_numbers<[1], [0], [0], [1], [0, 0, 1, 1], [], []>, transpose_lhs_hint = false} : vector<256x128xbf16>, vector<128x64xbf16>, vector<256x64xf32> -> vector<256x64xf32>
    %add3A_139 = arith.addf %dot_general3A_135, %dot_general3A_138 : vector<256x64xf32>
    %div3A_140 = vector.broadcast %add3A_132 : vector<256x1xf32> to vector<256x64xf32>
    %div3A_141 = arith.divf %add3A_139, %div3A_140 : vector<256x64xf32>
    %slice3A_142 = vector.extract_strided_slice %reshape3A {offsets = [512, 0], sizes = [256, 64], strides = [1, 1]} : vector<2048x64xbf16> to vector<256x64xbf16>
    %slice3A_143 = vector.extract_strided_slice %reshape3A_9 {offsets = [448, 0], sizes = [384, 64], strides = [1, 1]} : vector<2048x64xbf16> to vector<384x64xbf16>
    %slice3A_144 = vector.extract_strided_slice %reshape3A_15 {offsets = [448, 0], sizes = [384, 64], strides = [1, 1]} : vector<2048x64xbf16> to vector<384x64xbf16>
    %iota3A_145 = tpu.iota {dimensions = array<i32: 0>} : vector<256x384xi32>
    %add3A_146 = arith.constant 512 : i32
    %add3A_147 = vector.broadcast %add3A_146 : i32 to vector<256x384xi32>
    %add3A_148 = arith.addi %add3A_147, %iota3A_145 : vector<256x384xi32>
    %iota3A_149 = tpu.iota {dimensions = array<i32: 1>} : vector<256x384xi32>
    %add3A_150 = arith.constant 448 : i32
    %add3A_151 = vector.broadcast %add3A_150 : i32 to vector<256x384xi32>
    %add3A_152 = arith.addi %add3A_151, %iota3A_149 : vector<256x384xi32>
    %sub3A_153 = arith.subi %add3A_152, %add3A_148 : vector<256x384xi32>
    %abs3A_154 = math.absi %sub3A_153 : vector<256x384xi32>
    %le3A_155 = arith.constant 8 : i32
    %le3A_156 = vector.broadcast %le3A_155 : i32 to vector<256x384xi32>
    %le3A_157 = arith.cmpi sle, %abs3A_154, %le3A_156 : vector<256x384xi32>
    %dot_general3A_158 = arith.constant dense<0.000000e+00> : vector<256x384xf32>
    %dot_general3A_159 = tpu.matmul %slice3A_142, %slice3A_143, %dot_general3A_158 {dimension_numbers = #tpu.dot_dimension_numbers<[1], [1], [0], [0], [0, 0, 1, 0], [], []>, transpose_lhs_hint = false} : vector<256x64xbf16>, vector<384x64xbf16>, vector<256x384xf32> -> vector<256x384xf32>
    %mul3A_160 = arith.constant 1.250000e-01 : f32
    %mul3A_161 = vector.broadcast %mul3A_160 : f32 to vector<256x384xf32>
    %mul3A_162 = arith.mulf %dot_general3A_159, %mul3A_161 : vector<256x384xf32>
    %jit3A_163 = arith.constant -1.000000e+30 : f32
    %broadcast_in_dim3A_164 = vector.broadcast %jit3A_163 : f32 to vector<256x384xf32>
    %select_n3A_165 = arith.select %le3A_157, %mul3A_162, %broadcast_in_dim3A_164 : vector<256x384xi1>, vector<256x384xf32>
    %dot_general3A_166 = arith.constant dense<0.000000e+00> : vector<256x128xf32>
    %dot_general3A_167 = tpu.matmul %slice3A_142, %reshape3A_21, %dot_general3A_166 {dimension_numbers = #tpu.dot_dimension_numbers<[1], [1], [0], [0], [0, 0, 1, 0], [], []>, transpose_lhs_hint = false} : vector<256x64xbf16>, vector<128x64xbf16>, vector<256x128xf32> -> vector<256x128xf32>
    %mul3A_168 = arith.constant 1.250000e-01 : f32
    %mul3A_169 = vector.broadcast %mul3A_168 : f32 to vector<256x128xf32>
    %mul3A_170 = arith.mulf %dot_general3A_167, %mul3A_169 : vector<256x128xf32>
    %jit3A_171 = arith.constant -1.000000e+30 : f32
    %broadcast_in_dim3A_172 = vector.shape_cast %gt3A_32 : vector<1x128xi1> to vector<1x128xi1>
    %broadcast_in_dim3A_173 = vector.broadcast %broadcast_in_dim3A_172 : vector<1x128xi1> to vector<256x128xi1>
    %broadcast_in_dim3A_174 = vector.broadcast %jit3A_171 : f32 to vector<256x128xf32>
    %select_n3A_175 = arith.select %broadcast_in_dim3A_173, %mul3A_170, %broadcast_in_dim3A_174 : vector<256x128xi1>, vector<256x128xf32>
    %reduce_max3A_176 = arith.constant dense<0xFF800000> : vector<256xf32>
    %reduce_max3A_177 = vector.multi_reduction <maximumf>, %select_n3A_165, %reduce_max3A_176 [1] : vector<256x384xf32> to vector<256xf32>
    %broadcast_in_dim3A_178 = vector.shape_cast %reduce_max3A_177 : vector<256xf32> to vector<256x1xf32>
    %reduce_max3A_179 = arith.constant dense<0xFF800000> : vector<256xf32>
    %reduce_max3A_180 = vector.multi_reduction <maximumf>, %select_n3A_175, %reduce_max3A_179 [1] : vector<256x128xf32> to vector<256xf32>
    %broadcast_in_dim3A_181 = vector.shape_cast %reduce_max3A_180 : vector<256xf32> to vector<256x1xf32>
    %max3A_182 = arith.maximumf %broadcast_in_dim3A_178, %broadcast_in_dim3A_181 : vector<256x1xf32>
    %sub3A_183 = vector.broadcast %max3A_182 : vector<256x1xf32> to vector<256x384xf32>
    %sub3A_184 = arith.subf %select_n3A_165, %sub3A_183 : vector<256x384xf32>
    %exp3A_185 = math.exp %sub3A_184 : vector<256x384xf32>
    %sub3A_186 = vector.broadcast %max3A_182 : vector<256x1xf32> to vector<256x128xf32>
    %sub3A_187 = arith.subf %select_n3A_175, %sub3A_186 : vector<256x128xf32>
    %exp3A_188 = math.exp %sub3A_187 : vector<256x128xf32>
    %reduce_sum3A_189 = arith.constant dense<0.000000e+00> : vector<256xf32>
    %reduce_sum3A_190 = vector.multi_reduction <add>, %exp3A_185, %reduce_sum3A_189 [1] : vector<256x384xf32> to vector<256xf32>
    %broadcast_in_dim3A_191 = vector.shape_cast %reduce_sum3A_190 : vector<256xf32> to vector<256x1xf32>
    %reduce_sum3A_192 = arith.constant dense<0.000000e+00> : vector<256xf32>
    %reduce_sum3A_193 = vector.multi_reduction <add>, %exp3A_188, %reduce_sum3A_192 [1] : vector<256x128xf32> to vector<256xf32>
    %broadcast_in_dim3A_194 = vector.shape_cast %reduce_sum3A_193 : vector<256xf32> to vector<256x1xf32>
    %add3A_195 = arith.addf %broadcast_in_dim3A_191, %broadcast_in_dim3A_194 : vector<256x1xf32>
    %convert_element_type3A_196 = arith.truncf %exp3A_185 : vector<256x384xf32> to vector<256x384xbf16>
    %dot_general3A_197 = arith.constant dense<0.000000e+00> : vector<256x64xf32>
    %dot_general3A_198 = tpu.matmul %convert_element_type3A_196, %slice3A_144, %dot_general3A_197 {dimension_numbers = #tpu.dot_dimension_numbers<[1], [0], [0], [1], [0, 0, 1, 1], [], []>, transpose_lhs_hint = false} : vector<256x384xbf16>, vector<384x64xbf16>, vector<256x64xf32> -> vector<256x64xf32>
    %convert_element_type3A_199 = arith.truncf %exp3A_188 : vector<256x128xf32> to vector<256x128xbf16>
    %dot_general3A_200 = arith.constant dense<0.000000e+00> : vector<256x64xf32>
    %dot_general3A_201 = tpu.matmul %convert_element_type3A_199, %reshape3A_27, %dot_general3A_200 {dimension_numbers = #tpu.dot_dimension_numbers<[1], [0], [0], [1], [0, 0, 1, 1], [], []>, transpose_lhs_hint = false} : vector<256x128xbf16>, vector<128x64xbf16>, vector<256x64xf32> -> vector<256x64xf32>
    %add3A_202 = arith.addf %dot_general3A_198, %dot_general3A_201 : vector<256x64xf32>
    %div3A_203 = vector.broadcast %add3A_195 : vector<256x1xf32> to vector<256x64xf32>
    %div3A_204 = arith.divf %add3A_202, %div3A_203 : vector<256x64xf32>
    %slice3A_205 = vector.extract_strided_slice %reshape3A {offsets = [768, 0], sizes = [256, 64], strides = [1, 1]} : vector<2048x64xbf16> to vector<256x64xbf16>
    %slice3A_206 = vector.extract_strided_slice %reshape3A_9 {offsets = [704, 0], sizes = [384, 64], strides = [1, 1]} : vector<2048x64xbf16> to vector<384x64xbf16>
    %slice3A_207 = vector.extract_strided_slice %reshape3A_15 {offsets = [704, 0], sizes = [384, 64], strides = [1, 1]} : vector<2048x64xbf16> to vector<384x64xbf16>
    %iota3A_208 = tpu.iota {dimensions = array<i32: 0>} : vector<256x384xi32>
    %add3A_209 = arith.constant 768 : i32
    %add3A_210 = vector.broadcast %add3A_209 : i32 to vector<256x384xi32>
    %add3A_211 = arith.addi %add3A_210, %iota3A_208 : vector<256x384xi32>
    %iota3A_212 = tpu.iota {dimensions = array<i32: 1>} : vector<256x384xi32>
    %add3A_213 = arith.constant 704 : i32
    %add3A_214 = vector.broadcast %add3A_213 : i32 to vector<256x384xi32>
    %add3A_215 = arith.addi %add3A_214, %iota3A_212 : vector<256x384xi32>
    %sub3A_216 = arith.subi %add3A_215, %add3A_211 : vector<256x384xi32>
    %abs3A_217 = math.absi %sub3A_216 : vector<256x384xi32>
    %le3A_218 = arith.constant 8 : i32
    %le3A_219 = vector.broadcast %le3A_218 : i32 to vector<256x384xi32>
    %le3A_220 = arith.cmpi sle, %abs3A_217, %le3A_219 : vector<256x384xi32>
    %dot_general3A_221 = arith.constant dense<0.000000e+00> : vector<256x384xf32>
    %dot_general3A_222 = tpu.matmul %slice3A_205, %slice3A_206, %dot_general3A_221 {dimension_numbers = #tpu.dot_dimension_numbers<[1], [1], [0], [0], [0, 0, 1, 0], [], []>, transpose_lhs_hint = false} : vector<256x64xbf16>, vector<384x64xbf16>, vector<256x384xf32> -> vector<256x384xf32>
    %mul3A_223 = arith.constant 1.250000e-01 : f32
    %mul3A_224 = vector.broadcast %mul3A_223 : f32 to vector<256x384xf32>
    %mul3A_225 = arith.mulf %dot_general3A_222, %mul3A_224 : vector<256x384xf32>
    %jit3A_226 = arith.constant -1.000000e+30 : f32
    %broadcast_in_dim3A_227 = vector.broadcast %jit3A_226 : f32 to vector<256x384xf32>
    %select_n3A_228 = arith.select %le3A_220, %mul3A_225, %broadcast_in_dim3A_227 : vector<256x384xi1>, vector<256x384xf32>
    %dot_general3A_229 = arith.constant dense<0.000000e+00> : vector<256x128xf32>
    %dot_general3A_230 = tpu.matmul %slice3A_205, %reshape3A_21, %dot_general3A_229 {dimension_numbers = #tpu.dot_dimension_numbers<[1], [1], [0], [0], [0, 0, 1, 0], [], []>, transpose_lhs_hint = false} : vector<256x64xbf16>, vector<128x64xbf16>, vector<256x128xf32> -> vector<256x128xf32>
    %mul3A_231 = arith.constant 1.250000e-01 : f32
    %mul3A_232 = vector.broadcast %mul3A_231 : f32 to vector<256x128xf32>
    %mul3A_233 = arith.mulf %dot_general3A_230, %mul3A_232 : vector<256x128xf32>
    %jit3A_234 = arith.constant -1.000000e+30 : f32
    %broadcast_in_dim3A_235 = vector.shape_cast %gt3A_32 : vector<1x128xi1> to vector<1x128xi1>
    %broadcast_in_dim3A_236 = vector.broadcast %broadcast_in_dim3A_235 : vector<1x128xi1> to vector<256x128xi1>
    %broadcast_in_dim3A_237 = vector.broadcast %jit3A_234 : f32 to vector<256x128xf32>
    %select_n3A_238 = arith.select %broadcast_in_dim3A_236, %mul3A_233, %broadcast_in_dim3A_237 : vector<256x128xi1>, vector<256x128xf32>
    %reduce_max3A_239 = arith.constant dense<0xFF800000> : vector<256xf32>
    %reduce_max3A_240 = vector.multi_reduction <maximumf>, %select_n3A_228, %reduce_max3A_239 [1] : vector<256x384xf32> to vector<256xf32>
    %broadcast_in_dim3A_241 = vector.shape_cast %reduce_max3A_240 : vector<256xf32> to vector<256x1xf32>
    %reduce_max3A_242 = arith.constant dense<0xFF800000> : vector<256xf32>
    %reduce_max3A_243 = vector.multi_reduction <maximumf>, %select_n3A_238, %reduce_max3A_242 [1] : vector<256x128xf32> to vector<256xf32>
    %broadcast_in_dim3A_244 = vector.shape_cast %reduce_max3A_243 : vector<256xf32> to vector<256x1xf32>
    %max3A_245 = arith.maximumf %broadcast_in_dim3A_241, %broadcast_in_dim3A_244 : vector<256x1xf32>
    %sub3A_246 = vector.broadcast %max3A_245 : vector<256x1xf32> to vector<256x384xf32>
    %sub3A_247 = arith.subf %select_n3A_228, %sub3A_246 : vector<256x384xf32>
    %exp3A_248 = math.exp %sub3A_247 : vector<256x384xf32>
    %sub3A_249 = vector.broadcast %max3A_245 : vector<256x1xf32> to vector<256x128xf32>
    %sub3A_250 = arith.subf %select_n3A_238, %sub3A_249 : vector<256x128xf32>
    %exp3A_251 = math.exp %sub3A_250 : vector<256x128xf32>
    %reduce_sum3A_252 = arith.constant dense<0.000000e+00> : vector<256xf32>
    %reduce_sum3A_253 = vector.multi_reduction <add>, %exp3A_248, %reduce_sum3A_252 [1] : vector<256x384xf32> to vector<256xf32>
    %broadcast_in_dim3A_254 = vector.shape_cast %reduce_sum3A_253 : vector<256xf32> to vector<256x1xf32>
    %reduce_sum3A_255 = arith.constant dense<0.000000e+00> : vector<256xf32>
    %reduce_sum3A_256 = vector.multi_reduction <add>, %exp3A_251, %reduce_sum3A_255 [1] : vector<256x128xf32> to vector<256xf32>
    %broadcast_in_dim3A_257 = vector.shape_cast %reduce_sum3A_256 : vector<256xf32> to vector<256x1xf32>
    %add3A_258 = arith.addf %broadcast_in_dim3A_254, %broadcast_in_dim3A_257 : vector<256x1xf32>
    %convert_element_type3A_259 = arith.truncf %exp3A_248 : vector<256x384xf32> to vector<256x384xbf16>
    %dot_general3A_260 = arith.constant dense<0.000000e+00> : vector<256x64xf32>
    %dot_general3A_261 = tpu.matmul %convert_element_type3A_259, %slice3A_207, %dot_general3A_260 {dimension_numbers = #tpu.dot_dimension_numbers<[1], [0], [0], [1], [0, 0, 1, 1], [], []>, transpose_lhs_hint = false} : vector<256x384xbf16>, vector<384x64xbf16>, vector<256x64xf32> -> vector<256x64xf32>
    %convert_element_type3A_262 = arith.truncf %exp3A_251 : vector<256x128xf32> to vector<256x128xbf16>
    %dot_general3A_263 = arith.constant dense<0.000000e+00> : vector<256x64xf32>
    %dot_general3A_264 = tpu.matmul %convert_element_type3A_262, %reshape3A_27, %dot_general3A_263 {dimension_numbers = #tpu.dot_dimension_numbers<[1], [0], [0], [1], [0, 0, 1, 1], [], []>, transpose_lhs_hint = false} : vector<256x128xbf16>, vector<128x64xbf16>, vector<256x64xf32> -> vector<256x64xf32>
    %add3A_265 = arith.addf %dot_general3A_261, %dot_general3A_264 : vector<256x64xf32>
    %div3A_266 = vector.broadcast %add3A_258 : vector<256x1xf32> to vector<256x64xf32>
    %div3A_267 = arith.divf %add3A_265, %div3A_266 : vector<256x64xf32>
    %slice3A_268 = vector.extract_strided_slice %reshape3A {offsets = [1024, 0], sizes = [256, 64], strides = [1, 1]} : vector<2048x64xbf16> to vector<256x64xbf16>
    %slice3A_269 = vector.extract_strided_slice %reshape3A_9 {offsets = [960, 0], sizes = [384, 64], strides = [1, 1]} : vector<2048x64xbf16> to vector<384x64xbf16>
    %slice3A_270 = vector.extract_strided_slice %reshape3A_15 {offsets = [960, 0], sizes = [384, 64], strides = [1, 1]} : vector<2048x64xbf16> to vector<384x64xbf16>
    %iota3A_271 = tpu.iota {dimensions = array<i32: 0>} : vector<256x384xi32>
    %add3A_272 = arith.constant 1024 : i32
    %add3A_273 = vector.broadcast %add3A_272 : i32 to vector<256x384xi32>
    %add3A_274 = arith.addi %add3A_273, %iota3A_271 : vector<256x384xi32>
    %iota3A_275 = tpu.iota {dimensions = array<i32: 1>} : vector<256x384xi32>
    %add3A_276 = arith.constant 960 : i32
    %add3A_277 = vector.broadcast %add3A_276 : i32 to vector<256x384xi32>
    %add3A_278 = arith.addi %add3A_277, %iota3A_275 : vector<256x384xi32>
    %sub3A_279 = arith.subi %add3A_278, %add3A_274 : vector<256x384xi32>
    %abs3A_280 = math.absi %sub3A_279 : vector<256x384xi32>
    %le3A_281 = arith.constant 8 : i32
    %le3A_282 = vector.broadcast %le3A_281 : i32 to vector<256x384xi32>
    %le3A_283 = arith.cmpi sle, %abs3A_280, %le3A_282 : vector<256x384xi32>
    %dot_general3A_284 = arith.constant dense<0.000000e+00> : vector<256x384xf32>
    %dot_general3A_285 = tpu.matmul %slice3A_268, %slice3A_269, %dot_general3A_284 {dimension_numbers = #tpu.dot_dimension_numbers<[1], [1], [0], [0], [0, 0, 1, 0], [], []>, transpose_lhs_hint = false} : vector<256x64xbf16>, vector<384x64xbf16>, vector<256x384xf32> -> vector<256x384xf32>
    %mul3A_286 = arith.constant 1.250000e-01 : f32
    %mul3A_287 = vector.broadcast %mul3A_286 : f32 to vector<256x384xf32>
    %mul3A_288 = arith.mulf %dot_general3A_285, %mul3A_287 : vector<256x384xf32>
    %jit3A_289 = arith.constant -1.000000e+30 : f32
    %broadcast_in_dim3A_290 = vector.broadcast %jit3A_289 : f32 to vector<256x384xf32>
    %select_n3A_291 = arith.select %le3A_283, %mul3A_288, %broadcast_in_dim3A_290 : vector<256x384xi1>, vector<256x384xf32>
    %dot_general3A_292 = arith.constant dense<0.000000e+00> : vector<256x128xf32>
    %dot_general3A_293 = tpu.matmul %slice3A_268, %reshape3A_21, %dot_general3A_292 {dimension_numbers = #tpu.dot_dimension_numbers<[1], [1], [0], [0], [0, 0, 1, 0], [], []>, transpose_lhs_hint = false} : vector<256x64xbf16>, vector<128x64xbf16>, vector<256x128xf32> -> vector<256x128xf32>
    %mul3A_294 = arith.constant 1.250000e-01 : f32
    %mul3A_295 = vector.broadcast %mul3A_294 : f32 to vector<256x128xf32>
    %mul3A_296 = arith.mulf %dot_general3A_293, %mul3A_295 : vector<256x128xf32>
    %jit3A_297 = arith.constant -1.000000e+30 : f32
    %broadcast_in_dim3A_298 = vector.shape_cast %gt3A_32 : vector<1x128xi1> to vector<1x128xi1>
    %broadcast_in_dim3A_299 = vector.broadcast %broadcast_in_dim3A_298 : vector<1x128xi1> to vector<256x128xi1>
    %broadcast_in_dim3A_300 = vector.broadcast %jit3A_297 : f32 to vector<256x128xf32>
    %select_n3A_301 = arith.select %broadcast_in_dim3A_299, %mul3A_296, %broadcast_in_dim3A_300 : vector<256x128xi1>, vector<256x128xf32>
    %reduce_max3A_302 = arith.constant dense<0xFF800000> : vector<256xf32>
    %reduce_max3A_303 = vector.multi_reduction <maximumf>, %select_n3A_291, %reduce_max3A_302 [1] : vector<256x384xf32> to vector<256xf32>
    %broadcast_in_dim3A_304 = vector.shape_cast %reduce_max3A_303 : vector<256xf32> to vector<256x1xf32>
    %reduce_max3A_305 = arith.constant dense<0xFF800000> : vector<256xf32>
    %reduce_max3A_306 = vector.multi_reduction <maximumf>, %select_n3A_301, %reduce_max3A_305 [1] : vector<256x128xf32> to vector<256xf32>
    %broadcast_in_dim3A_307 = vector.shape_cast %reduce_max3A_306 : vector<256xf32> to vector<256x1xf32>
    %max3A_308 = arith.maximumf %broadcast_in_dim3A_304, %broadcast_in_dim3A_307 : vector<256x1xf32>
    %sub3A_309 = vector.broadcast %max3A_308 : vector<256x1xf32> to vector<256x384xf32>
    %sub3A_310 = arith.subf %select_n3A_291, %sub3A_309 : vector<256x384xf32>
    %exp3A_311 = math.exp %sub3A_310 : vector<256x384xf32>
    %sub3A_312 = vector.broadcast %max3A_308 : vector<256x1xf32> to vector<256x128xf32>
    %sub3A_313 = arith.subf %select_n3A_301, %sub3A_312 : vector<256x128xf32>
    %exp3A_314 = math.exp %sub3A_313 : vector<256x128xf32>
    %reduce_sum3A_315 = arith.constant dense<0.000000e+00> : vector<256xf32>
    %reduce_sum3A_316 = vector.multi_reduction <add>, %exp3A_311, %reduce_sum3A_315 [1] : vector<256x384xf32> to vector<256xf32>
    %broadcast_in_dim3A_317 = vector.shape_cast %reduce_sum3A_316 : vector<256xf32> to vector<256x1xf32>
    %reduce_sum3A_318 = arith.constant dense<0.000000e+00> : vector<256xf32>
    %reduce_sum3A_319 = vector.multi_reduction <add>, %exp3A_314, %reduce_sum3A_318 [1] : vector<256x128xf32> to vector<256xf32>
    %broadcast_in_dim3A_320 = vector.shape_cast %reduce_sum3A_319 : vector<256xf32> to vector<256x1xf32>
    %add3A_321 = arith.addf %broadcast_in_dim3A_317, %broadcast_in_dim3A_320 : vector<256x1xf32>
    %convert_element_type3A_322 = arith.truncf %exp3A_311 : vector<256x384xf32> to vector<256x384xbf16>
    %dot_general3A_323 = arith.constant dense<0.000000e+00> : vector<256x64xf32>
    %dot_general3A_324 = tpu.matmul %convert_element_type3A_322, %slice3A_270, %dot_general3A_323 {dimension_numbers = #tpu.dot_dimension_numbers<[1], [0], [0], [1], [0, 0, 1, 1], [], []>, transpose_lhs_hint = false} : vector<256x384xbf16>, vector<384x64xbf16>, vector<256x64xf32> -> vector<256x64xf32>
    %convert_element_type3A_325 = arith.truncf %exp3A_314 : vector<256x128xf32> to vector<256x128xbf16>
    %dot_general3A_326 = arith.constant dense<0.000000e+00> : vector<256x64xf32>
    %dot_general3A_327 = tpu.matmul %convert_element_type3A_325, %reshape3A_27, %dot_general3A_326 {dimension_numbers = #tpu.dot_dimension_numbers<[1], [0], [0], [1], [0, 0, 1, 1], [], []>, transpose_lhs_hint = false} : vector<256x128xbf16>, vector<128x64xbf16>, vector<256x64xf32> -> vector<256x64xf32>
    %add3A_328 = arith.addf %dot_general3A_324, %dot_general3A_327 : vector<256x64xf32>
    %div3A_329 = vector.broadcast %add3A_321 : vector<256x1xf32> to vector<256x64xf32>
    %div3A_330 = arith.divf %add3A_328, %div3A_329 : vector<256x64xf32>
    %slice3A_331 = vector.extract_strided_slice %reshape3A {offsets = [1280, 0], sizes = [256, 64], strides = [1, 1]} : vector<2048x64xbf16> to vector<256x64xbf16>
    %slice3A_332 = vector.extract_strided_slice %reshape3A_9 {offsets = [1216, 0], sizes = [384, 64], strides = [1, 1]} : vector<2048x64xbf16> to vector<384x64xbf16>
    %slice3A_333 = vector.extract_strided_slice %reshape3A_15 {offsets = [1216, 0], sizes = [384, 64], strides = [1, 1]} : vector<2048x64xbf16> to vector<384x64xbf16>
    %iota3A_334 = tpu.iota {dimensions = array<i32: 0>} : vector<256x384xi32>
    %add3A_335 = arith.constant 1280 : i32
    %add3A_336 = vector.broadcast %add3A_335 : i32 to vector<256x384xi32>
    %add3A_337 = arith.addi %add3A_336, %iota3A_334 : vector<256x384xi32>
    %iota3A_338 = tpu.iota {dimensions = array<i32: 1>} : vector<256x384xi32>
    %add3A_339 = arith.constant 1216 : i32
    %add3A_340 = vector.broadcast %add3A_339 : i32 to vector<256x384xi32>
    %add3A_341 = arith.addi %add3A_340, %iota3A_338 : vector<256x384xi32>
    %sub3A_342 = arith.subi %add3A_341, %add3A_337 : vector<256x384xi32>
    %abs3A_343 = math.absi %sub3A_342 : vector<256x384xi32>
    %le3A_344 = arith.constant 8 : i32
    %le3A_345 = vector.broadcast %le3A_344 : i32 to vector<256x384xi32>
    %le3A_346 = arith.cmpi sle, %abs3A_343, %le3A_345 : vector<256x384xi32>
    %dot_general3A_347 = arith.constant dense<0.000000e+00> : vector<256x384xf32>
    %dot_general3A_348 = tpu.matmul %slice3A_331, %slice3A_332, %dot_general3A_347 {dimension_numbers = #tpu.dot_dimension_numbers<[1], [1], [0], [0], [0, 0, 1, 0], [], []>, transpose_lhs_hint = false} : vector<256x64xbf16>, vector<384x64xbf16>, vector<256x384xf32> -> vector<256x384xf32>
    %mul3A_349 = arith.constant 1.250000e-01 : f32
    %mul3A_350 = vector.broadcast %mul3A_349 : f32 to vector<256x384xf32>
    %mul3A_351 = arith.mulf %dot_general3A_348, %mul3A_350 : vector<256x384xf32>
    %jit3A_352 = arith.constant -1.000000e+30 : f32
    %broadcast_in_dim3A_353 = vector.broadcast %jit3A_352 : f32 to vector<256x384xf32>
    %select_n3A_354 = arith.select %le3A_346, %mul3A_351, %broadcast_in_dim3A_353 : vector<256x384xi1>, vector<256x384xf32>
    %dot_general3A_355 = arith.constant dense<0.000000e+00> : vector<256x128xf32>
    %dot_general3A_356 = tpu.matmul %slice3A_331, %reshape3A_21, %dot_general3A_355 {dimension_numbers = #tpu.dot_dimension_numbers<[1], [1], [0], [0], [0, 0, 1, 0], [], []>, transpose_lhs_hint = false} : vector<256x64xbf16>, vector<128x64xbf16>, vector<256x128xf32> -> vector<256x128xf32>
    %mul3A_357 = arith.constant 1.250000e-01 : f32
    %mul3A_358 = vector.broadcast %mul3A_357 : f32 to vector<256x128xf32>
    %mul3A_359 = arith.mulf %dot_general3A_356, %mul3A_358 : vector<256x128xf32>
    %jit3A_360 = arith.constant -1.000000e+30 : f32
    %broadcast_in_dim3A_361 = vector.shape_cast %gt3A_32 : vector<1x128xi1> to vector<1x128xi1>
    %broadcast_in_dim3A_362 = vector.broadcast %broadcast_in_dim3A_361 : vector<1x128xi1> to vector<256x128xi1>
    %broadcast_in_dim3A_363 = vector.broadcast %jit3A_360 : f32 to vector<256x128xf32>
    %select_n3A_364 = arith.select %broadcast_in_dim3A_362, %mul3A_359, %broadcast_in_dim3A_363 : vector<256x128xi1>, vector<256x128xf32>
    %reduce_max3A_365 = arith.constant dense<0xFF800000> : vector<256xf32>
    %reduce_max3A_366 = vector.multi_reduction <maximumf>, %select_n3A_354, %reduce_max3A_365 [1] : vector<256x384xf32> to vector<256xf32>
    %broadcast_in_dim3A_367 = vector.shape_cast %reduce_max3A_366 : vector<256xf32> to vector<256x1xf32>
    %reduce_max3A_368 = arith.constant dense<0xFF800000> : vector<256xf32>
    %reduce_max3A_369 = vector.multi_reduction <maximumf>, %select_n3A_364, %reduce_max3A_368 [1] : vector<256x128xf32> to vector<256xf32>
    %broadcast_in_dim3A_370 = vector.shape_cast %reduce_max3A_369 : vector<256xf32> to vector<256x1xf32>
    %max3A_371 = arith.maximumf %broadcast_in_dim3A_367, %broadcast_in_dim3A_370 : vector<256x1xf32>
    %sub3A_372 = vector.broadcast %max3A_371 : vector<256x1xf32> to vector<256x384xf32>
    %sub3A_373 = arith.subf %select_n3A_354, %sub3A_372 : vector<256x384xf32>
    %exp3A_374 = math.exp %sub3A_373 : vector<256x384xf32>
    %sub3A_375 = vector.broadcast %max3A_371 : vector<256x1xf32> to vector<256x128xf32>
    %sub3A_376 = arith.subf %select_n3A_364, %sub3A_375 : vector<256x128xf32>
    %exp3A_377 = math.exp %sub3A_376 : vector<256x128xf32>
    %reduce_sum3A_378 = arith.constant dense<0.000000e+00> : vector<256xf32>
    %reduce_sum3A_379 = vector.multi_reduction <add>, %exp3A_374, %reduce_sum3A_378 [1] : vector<256x384xf32> to vector<256xf32>
    %broadcast_in_dim3A_380 = vector.shape_cast %reduce_sum3A_379 : vector<256xf32> to vector<256x1xf32>
    %reduce_sum3A_381 = arith.constant dense<0.000000e+00> : vector<256xf32>
    %reduce_sum3A_382 = vector.multi_reduction <add>, %exp3A_377, %reduce_sum3A_381 [1] : vector<256x128xf32> to vector<256xf32>
    %broadcast_in_dim3A_383 = vector.shape_cast %reduce_sum3A_382 : vector<256xf32> to vector<256x1xf32>
    %add3A_384 = arith.addf %broadcast_in_dim3A_380, %broadcast_in_dim3A_383 : vector<256x1xf32>
    %convert_element_type3A_385 = arith.truncf %exp3A_374 : vector<256x384xf32> to vector<256x384xbf16>
    %dot_general3A_386 = arith.constant dense<0.000000e+00> : vector<256x64xf32>
    %dot_general3A_387 = tpu.matmul %convert_element_type3A_385, %slice3A_333, %dot_general3A_386 {dimension_numbers = #tpu.dot_dimension_numbers<[1], [0], [0], [1], [0, 0, 1, 1], [], []>, transpose_lhs_hint = false} : vector<256x384xbf16>, vector<384x64xbf16>, vector<256x64xf32> -> vector<256x64xf32>
    %convert_element_type3A_388 = arith.truncf %exp3A_377 : vector<256x128xf32> to vector<256x128xbf16>
    %dot_general3A_389 = arith.constant dense<0.000000e+00> : vector<256x64xf32>
    %dot_general3A_390 = tpu.matmul %convert_element_type3A_388, %reshape3A_27, %dot_general3A_389 {dimension_numbers = #tpu.dot_dimension_numbers<[1], [0], [0], [1], [0, 0, 1, 1], [], []>, transpose_lhs_hint = false} : vector<256x128xbf16>, vector<128x64xbf16>, vector<256x64xf32> -> vector<256x64xf32>
    %add3A_391 = arith.addf %dot_general3A_387, %dot_general3A_390 : vector<256x64xf32>
    %div3A_392 = vector.broadcast %add3A_384 : vector<256x1xf32> to vector<256x64xf32>
    %div3A_393 = arith.divf %add3A_391, %div3A_392 : vector<256x64xf32>
    %slice3A_394 = vector.extract_strided_slice %reshape3A {offsets = [1536, 0], sizes = [256, 64], strides = [1, 1]} : vector<2048x64xbf16> to vector<256x64xbf16>
    %slice3A_395 = vector.extract_strided_slice %reshape3A_9 {offsets = [1472, 0], sizes = [384, 64], strides = [1, 1]} : vector<2048x64xbf16> to vector<384x64xbf16>
    %slice3A_396 = vector.extract_strided_slice %reshape3A_15 {offsets = [1472, 0], sizes = [384, 64], strides = [1, 1]} : vector<2048x64xbf16> to vector<384x64xbf16>
    %iota3A_397 = tpu.iota {dimensions = array<i32: 0>} : vector<256x384xi32>
    %add3A_398 = arith.constant 1536 : i32
    %add3A_399 = vector.broadcast %add3A_398 : i32 to vector<256x384xi32>
    %add3A_400 = arith.addi %add3A_399, %iota3A_397 : vector<256x384xi32>
    %iota3A_401 = tpu.iota {dimensions = array<i32: 1>} : vector<256x384xi32>
    %add3A_402 = arith.constant 1472 : i32
    %add3A_403 = vector.broadcast %add3A_402 : i32 to vector<256x384xi32>
    %add3A_404 = arith.addi %add3A_403, %iota3A_401 : vector<256x384xi32>
    %sub3A_405 = arith.subi %add3A_404, %add3A_400 : vector<256x384xi32>
    %abs3A_406 = math.absi %sub3A_405 : vector<256x384xi32>
    %le3A_407 = arith.constant 8 : i32
    %le3A_408 = vector.broadcast %le3A_407 : i32 to vector<256x384xi32>
    %le3A_409 = arith.cmpi sle, %abs3A_406, %le3A_408 : vector<256x384xi32>
    %dot_general3A_410 = arith.constant dense<0.000000e+00> : vector<256x384xf32>
    %dot_general3A_411 = tpu.matmul %slice3A_394, %slice3A_395, %dot_general3A_410 {dimension_numbers = #tpu.dot_dimension_numbers<[1], [1], [0], [0], [0, 0, 1, 0], [], []>, transpose_lhs_hint = false} : vector<256x64xbf16>, vector<384x64xbf16>, vector<256x384xf32> -> vector<256x384xf32>
    %mul3A_412 = arith.constant 1.250000e-01 : f32
    %mul3A_413 = vector.broadcast %mul3A_412 : f32 to vector<256x384xf32>
    %mul3A_414 = arith.mulf %dot_general3A_411, %mul3A_413 : vector<256x384xf32>
    %jit3A_415 = arith.constant -1.000000e+30 : f32
    %broadcast_in_dim3A_416 = vector.broadcast %jit3A_415 : f32 to vector<256x384xf32>
    %select_n3A_417 = arith.select %le3A_409, %mul3A_414, %broadcast_in_dim3A_416 : vector<256x384xi1>, vector<256x384xf32>
    %dot_general3A_418 = arith.constant dense<0.000000e+00> : vector<256x128xf32>
    %dot_general3A_419 = tpu.matmul %slice3A_394, %reshape3A_21, %dot_general3A_418 {dimension_numbers = #tpu.dot_dimension_numbers<[1], [1], [0], [0], [0, 0, 1, 0], [], []>, transpose_lhs_hint = false} : vector<256x64xbf16>, vector<128x64xbf16>, vector<256x128xf32> -> vector<256x128xf32>
    %mul3A_420 = arith.constant 1.250000e-01 : f32
    %mul3A_421 = vector.broadcast %mul3A_420 : f32 to vector<256x128xf32>
    %mul3A_422 = arith.mulf %dot_general3A_419, %mul3A_421 : vector<256x128xf32>
    %jit3A_423 = arith.constant -1.000000e+30 : f32
    %broadcast_in_dim3A_424 = vector.shape_cast %gt3A_32 : vector<1x128xi1> to vector<1x128xi1>
    %broadcast_in_dim3A_425 = vector.broadcast %broadcast_in_dim3A_424 : vector<1x128xi1> to vector<256x128xi1>
    %broadcast_in_dim3A_426 = vector.broadcast %jit3A_423 : f32 to vector<256x128xf32>
    %select_n3A_427 = arith.select %broadcast_in_dim3A_425, %mul3A_422, %broadcast_in_dim3A_426 : vector<256x128xi1>, vector<256x128xf32>
    %reduce_max3A_428 = arith.constant dense<0xFF800000> : vector<256xf32>
    %reduce_max3A_429 = vector.multi_reduction <maximumf>, %select_n3A_417, %reduce_max3A_428 [1] : vector<256x384xf32> to vector<256xf32>
    %broadcast_in_dim3A_430 = vector.shape_cast %reduce_max3A_429 : vector<256xf32> to vector<256x1xf32>
    %reduce_max3A_431 = arith.constant dense<0xFF800000> : vector<256xf32>
    %reduce_max3A_432 = vector.multi_reduction <maximumf>, %select_n3A_427, %reduce_max3A_431 [1] : vector<256x128xf32> to vector<256xf32>
    %broadcast_in_dim3A_433 = vector.shape_cast %reduce_max3A_432 : vector<256xf32> to vector<256x1xf32>
    %max3A_434 = arith.maximumf %broadcast_in_dim3A_430, %broadcast_in_dim3A_433 : vector<256x1xf32>
    %sub3A_435 = vector.broadcast %max3A_434 : vector<256x1xf32> to vector<256x384xf32>
    %sub3A_436 = arith.subf %select_n3A_417, %sub3A_435 : vector<256x384xf32>
    %exp3A_437 = math.exp %sub3A_436 : vector<256x384xf32>
    %sub3A_438 = vector.broadcast %max3A_434 : vector<256x1xf32> to vector<256x128xf32>
    %sub3A_439 = arith.subf %select_n3A_427, %sub3A_438 : vector<256x128xf32>
    %exp3A_440 = math.exp %sub3A_439 : vector<256x128xf32>
    %reduce_sum3A_441 = arith.constant dense<0.000000e+00> : vector<256xf32>
    %reduce_sum3A_442 = vector.multi_reduction <add>, %exp3A_437, %reduce_sum3A_441 [1] : vector<256x384xf32> to vector<256xf32>
    %broadcast_in_dim3A_443 = vector.shape_cast %reduce_sum3A_442 : vector<256xf32> to vector<256x1xf32>
    %reduce_sum3A_444 = arith.constant dense<0.000000e+00> : vector<256xf32>
    %reduce_sum3A_445 = vector.multi_reduction <add>, %exp3A_440, %reduce_sum3A_444 [1] : vector<256x128xf32> to vector<256xf32>
    %broadcast_in_dim3A_446 = vector.shape_cast %reduce_sum3A_445 : vector<256xf32> to vector<256x1xf32>
    %add3A_447 = arith.addf %broadcast_in_dim3A_443, %broadcast_in_dim3A_446 : vector<256x1xf32>
    %convert_element_type3A_448 = arith.truncf %exp3A_437 : vector<256x384xf32> to vector<256x384xbf16>
    %dot_general3A_449 = arith.constant dense<0.000000e+00> : vector<256x64xf32>
    %dot_general3A_450 = tpu.matmul %convert_element_type3A_448, %slice3A_396, %dot_general3A_449 {dimension_numbers = #tpu.dot_dimension_numbers<[1], [0], [0], [1], [0, 0, 1, 1], [], []>, transpose_lhs_hint = false} : vector<256x384xbf16>, vector<384x64xbf16>, vector<256x64xf32> -> vector<256x64xf32>
    %convert_element_type3A_451 = arith.truncf %exp3A_440 : vector<256x128xf32> to vector<256x128xbf16>
    %dot_general3A_452 = arith.constant dense<0.000000e+00> : vector<256x64xf32>
    %dot_general3A_453 = tpu.matmul %convert_element_type3A_451, %reshape3A_27, %dot_general3A_452 {dimension_numbers = #tpu.dot_dimension_numbers<[1], [0], [0], [1], [0, 0, 1, 1], [], []>, transpose_lhs_hint = false} : vector<256x128xbf16>, vector<128x64xbf16>, vector<256x64xf32> -> vector<256x64xf32>
    %add3A_454 = arith.addf %dot_general3A_450, %dot_general3A_453 : vector<256x64xf32>
    %div3A_455 = vector.broadcast %add3A_447 : vector<256x1xf32> to vector<256x64xf32>
    %div3A_456 = arith.divf %add3A_454, %div3A_455 : vector<256x64xf32>
    %slice3A_457 = vector.extract_strided_slice %reshape3A {offsets = [1792, 0], sizes = [256, 64], strides = [1, 1]} : vector<2048x64xbf16> to vector<256x64xbf16>
    %slice3A_458 = vector.extract_strided_slice %reshape3A_9 {offsets = [1664, 0], sizes = [384, 64], strides = [1, 1]} : vector<2048x64xbf16> to vector<384x64xbf16>
    %slice3A_459 = vector.extract_strided_slice %reshape3A_15 {offsets = [1664, 0], sizes = [384, 64], strides = [1, 1]} : vector<2048x64xbf16> to vector<384x64xbf16>
    %iota3A_460 = tpu.iota {dimensions = array<i32: 0>} : vector<256x384xi32>
    %add3A_461 = arith.constant 1792 : i32
    %add3A_462 = vector.broadcast %add3A_461 : i32 to vector<256x384xi32>
    %add3A_463 = arith.addi %add3A_462, %iota3A_460 : vector<256x384xi32>
    %iota3A_464 = tpu.iota {dimensions = array<i32: 1>} : vector<256x384xi32>
    %add3A_465 = arith.constant 1664 : i32
    %add3A_466 = vector.broadcast %add3A_465 : i32 to vector<256x384xi32>
    %add3A_467 = arith.addi %add3A_466, %iota3A_464 : vector<256x384xi32>
    %sub3A_468 = arith.subi %add3A_467, %add3A_463 : vector<256x384xi32>
    %abs3A_469 = math.absi %sub3A_468 : vector<256x384xi32>
    %le3A_470 = arith.constant 8 : i32
    %le3A_471 = vector.broadcast %le3A_470 : i32 to vector<256x384xi32>
    %le3A_472 = arith.cmpi sle, %abs3A_469, %le3A_471 : vector<256x384xi32>
    %dot_general3A_473 = arith.constant dense<0.000000e+00> : vector<256x384xf32>
    %dot_general3A_474 = tpu.matmul %slice3A_457, %slice3A_458, %dot_general3A_473 {dimension_numbers = #tpu.dot_dimension_numbers<[1], [1], [0], [0], [0, 0, 1, 0], [], []>, transpose_lhs_hint = false} : vector<256x64xbf16>, vector<384x64xbf16>, vector<256x384xf32> -> vector<256x384xf32>
    %mul3A_475 = arith.constant 1.250000e-01 : f32
    %mul3A_476 = vector.broadcast %mul3A_475 : f32 to vector<256x384xf32>
    %mul3A_477 = arith.mulf %dot_general3A_474, %mul3A_476 : vector<256x384xf32>
    %jit3A_478 = arith.constant -1.000000e+30 : f32
    %broadcast_in_dim3A_479 = vector.broadcast %jit3A_478 : f32 to vector<256x384xf32>
    %select_n3A_480 = arith.select %le3A_472, %mul3A_477, %broadcast_in_dim3A_479 : vector<256x384xi1>, vector<256x384xf32>
    %dot_general3A_481 = arith.constant dense<0.000000e+00> : vector<256x128xf32>
    %dot_general3A_482 = tpu.matmul %slice3A_457, %reshape3A_21, %dot_general3A_481 {dimension_numbers = #tpu.dot_dimension_numbers<[1], [1], [0], [0], [0, 0, 1, 0], [], []>, transpose_lhs_hint = false} : vector<256x64xbf16>, vector<128x64xbf16>, vector<256x128xf32> -> vector<256x128xf32>
    %mul3A_483 = arith.constant 1.250000e-01 : f32
    %mul3A_484 = vector.broadcast %mul3A_483 : f32 to vector<256x128xf32>
    %mul3A_485 = arith.mulf %dot_general3A_482, %mul3A_484 : vector<256x128xf32>
    %jit3A_486 = arith.constant -1.000000e+30 : f32
    %broadcast_in_dim3A_487 = vector.shape_cast %gt3A_32 : vector<1x128xi1> to vector<1x128xi1>
    %broadcast_in_dim3A_488 = vector.broadcast %broadcast_in_dim3A_487 : vector<1x128xi1> to vector<256x128xi1>
    %broadcast_in_dim3A_489 = vector.broadcast %jit3A_486 : f32 to vector<256x128xf32>
    %select_n3A_490 = arith.select %broadcast_in_dim3A_488, %mul3A_485, %broadcast_in_dim3A_489 : vector<256x128xi1>, vector<256x128xf32>
    %reduce_max3A_491 = arith.constant dense<0xFF800000> : vector<256xf32>
    %reduce_max3A_492 = vector.multi_reduction <maximumf>, %select_n3A_480, %reduce_max3A_491 [1] : vector<256x384xf32> to vector<256xf32>
    %broadcast_in_dim3A_493 = vector.shape_cast %reduce_max3A_492 : vector<256xf32> to vector<256x1xf32>
    %reduce_max3A_494 = arith.constant dense<0xFF800000> : vector<256xf32>
    %reduce_max3A_495 = vector.multi_reduction <maximumf>, %select_n3A_490, %reduce_max3A_494 [1] : vector<256x128xf32> to vector<256xf32>
    %broadcast_in_dim3A_496 = vector.shape_cast %reduce_max3A_495 : vector<256xf32> to vector<256x1xf32>
    %max3A_497 = arith.maximumf %broadcast_in_dim3A_493, %broadcast_in_dim3A_496 : vector<256x1xf32>
    %sub3A_498 = vector.broadcast %max3A_497 : vector<256x1xf32> to vector<256x384xf32>
    %sub3A_499 = arith.subf %select_n3A_480, %sub3A_498 : vector<256x384xf32>
    %exp3A_500 = math.exp %sub3A_499 : vector<256x384xf32>
    %sub3A_501 = vector.broadcast %max3A_497 : vector<256x1xf32> to vector<256x128xf32>
    %sub3A_502 = arith.subf %select_n3A_490, %sub3A_501 : vector<256x128xf32>
    %exp3A_503 = math.exp %sub3A_502 : vector<256x128xf32>
    %reduce_sum3A_504 = arith.constant dense<0.000000e+00> : vector<256xf32>
    %reduce_sum3A_505 = vector.multi_reduction <add>, %exp3A_500, %reduce_sum3A_504 [1] : vector<256x384xf32> to vector<256xf32>
    %broadcast_in_dim3A_506 = vector.shape_cast %reduce_sum3A_505 : vector<256xf32> to vector<256x1xf32>
    %reduce_sum3A_507 = arith.constant dense<0.000000e+00> : vector<256xf32>
    %reduce_sum3A_508 = vector.multi_reduction <add>, %exp3A_503, %reduce_sum3A_507 [1] : vector<256x128xf32> to vector<256xf32>
    %broadcast_in_dim3A_509 = vector.shape_cast %reduce_sum3A_508 : vector<256xf32> to vector<256x1xf32>
    %add3A_510 = arith.addf %broadcast_in_dim3A_506, %broadcast_in_dim3A_509 : vector<256x1xf32>
    %convert_element_type3A_511 = arith.truncf %exp3A_500 : vector<256x384xf32> to vector<256x384xbf16>
    %dot_general3A_512 = arith.constant dense<0.000000e+00> : vector<256x64xf32>
    %dot_general3A_513 = tpu.matmul %convert_element_type3A_511, %slice3A_459, %dot_general3A_512 {dimension_numbers = #tpu.dot_dimension_numbers<[1], [0], [0], [1], [0, 0, 1, 1], [], []>, transpose_lhs_hint = false} : vector<256x384xbf16>, vector<384x64xbf16>, vector<256x64xf32> -> vector<256x64xf32>
    %convert_element_type3A_514 = arith.truncf %exp3A_503 : vector<256x128xf32> to vector<256x128xbf16>
    %dot_general3A_515 = arith.constant dense<0.000000e+00> : vector<256x64xf32>
    %dot_general3A_516 = tpu.matmul %convert_element_type3A_514, %reshape3A_27, %dot_general3A_515 {dimension_numbers = #tpu.dot_dimension_numbers<[1], [0], [0], [1], [0, 0, 1, 1], [], []>, transpose_lhs_hint = false} : vector<256x128xbf16>, vector<128x64xbf16>, vector<256x64xf32> -> vector<256x64xf32>
    %add3A_517 = arith.addf %dot_general3A_513, %dot_general3A_516 : vector<256x64xf32>
    %div3A_518 = vector.broadcast %add3A_510 : vector<256x1xf32> to vector<256x64xf32>
    %div3A_519 = arith.divf %add3A_517, %div3A_518 : vector<256x64xf32>
    %concatenate3A = tpu.concatenate %div3A_78, %div3A_141, %div3A_204, %div3A_267, %div3A_330, %div3A_393, %div3A_456, %div3A_519 in 0 : vector<256x64xf32>, vector<256x64xf32>, vector<256x64xf32>, vector<256x64xf32>, vector<256x64xf32>, vector<256x64xf32>, vector<256x64xf32>, vector<256x64xf32> -> vector<2048x64xf32>
    %convert_element_type3A_520 = arith.truncf %concatenate3A : vector<2048x64xf32> to vector<2048x64xbf16>
    %get3A_521 = arith.constant 0 : index
    %get3A_522 = arith.constant 0 : index
    %get3A_523 = vector.load %arg7[%get3A_521, %get3A_522] : memref<64x1024xbf16, #tpu.memory_space<vmem>>, vector<64x1024xbf16>
    %dot_general3A_524 = arith.constant dense<0.000000e+00> : vector<2048x1024xf32>
    %dot_general3A_525 = tpu.matmul %convert_element_type3A_520, %get3A_523, %dot_general3A_524 {dimension_numbers = #tpu.dot_dimension_numbers<[1], [0], [0], [1], [0, 0, 1, 1], [], []>, transpose_lhs_hint = false} : vector<2048x64xbf16>, vector<64x1024xbf16>, vector<2048x1024xf32> -> vector<2048x1024xf32>
    %eq3A = arith.constant 0 : i32
    %eq3A_526 = arith.cmpi eq, %arg0, %eq3A : i32
    %convert_element_type3A_527 = arith.extui %eq3A_526 : i1 to i32
    %cond3A = arith.constant 0 : i32
    %cond3A_528 = arith.cmpi ne, %convert_element_type3A_527, %cond3A : i32
    scf.if %cond3A_528 {
      %get3A_533 = arith.constant 0 : index
      %get3A_534 = arith.constant 0 : index
      %get3A_535 = vector.load %arg8[%get3A_533, %get3A_534] : memref<1x1024xf32, #tpu.memory_space<vmem>>, vector<1x1024xf32>
      %add3A_536 = vector.broadcast %get3A_535 : vector<1x1024xf32> to vector<2048x1024xf32>
      %add3A_537 = arith.addf %dot_general3A_525, %add3A_536 : vector<2048x1024xf32>
      %swap3A = arith.constant 0 : index
      %swap3A_538 = arith.constant 0 : index
      %swap3A_539 = vector.load %arg9[%swap3A, %swap3A_538] : memref<2048x1024xf32, #tpu.memory_space<vmem>>, vector<2048x1024xf32>
      tpu.vector_store %arg9[%swap3A, %swap3A_538], %add3A_537 {strides = array<i32>} : memref<2048x1024xf32, #tpu.memory_space<vmem>>, vector<2048x1024xf32>,
    } else {
    }
    %ne3A = arith.constant 0 : i32
    %ne3A_529 = arith.cmpi ne, %arg0, %ne3A : i32
    %convert_element_type3A_530 = arith.extui %ne3A_529 : i1 to i32
    %cond3A_531 = arith.constant 0 : i32
    %cond3A_532 = arith.cmpi ne, %convert_element_type3A_530, %cond3A_531 : i32
    scf.if %cond3A_532 {
      %get3A_533 = arith.constant 0 : index
      %get3A_534 = arith.constant 0 : index
      %get3A_535 = vector.load %arg9[%get3A_533, %get3A_534] : memref<2048x1024xf32, #tpu.memory_space<vmem>>, vector<2048x1024xf32>
      %add3A_536 = arith.addf %get3A_535, %dot_general3A_525 : vector<2048x1024xf32>
      %swap3A = arith.constant 0 : index
      %swap3A_537 = arith.constant 0 : index
      %swap3A_538 = vector.load %arg9[%swap3A, %swap3A_537] : memref<2048x1024xf32, #tpu.memory_space<vmem>>, vector<2048x1024xf32>
      tpu.vector_store %arg9[%swap3A, %swap3A_537], %add3A_536 {strides = array<i32>} : memref<2048x1024xf32, #tpu.memory_space<vmem>>, vector<2048x1024xf32>,
    } else {
    }
    return
  }
  func.func @transform_0(%arg0: i32) -> (i32, i32, i32, i32) {
    %c0_i32 = arith.constant 0 : i32
    %c0_i32_0 = arith.constant 0 : i32
    %c0_i32_1 = arith.constant 0 : i32
    %c0_i32_2 = arith.constant 0 : i32
    return %c0_i32, %arg0, %c0_i32_0, %c0_i32_1 : i32, i32, i32, i32
  }
  func.func @transform_1(%arg0: i32) -> (i32, i32, i32, i32) {
    %add3A = arith.constant 16 : i32
    %add3A_0 = arith.addi %add3A, %arg0 : i32
    %c0_i32 = arith.constant 0 : i32
    %c0_i32_1 = arith.constant 0 : i32
    %c0_i32_2 = arith.constant 0 : i32
    %c0_i32_3 = arith.constant 0 : i32
    return %c0_i32, %add3A_0, %c0_i32_1, %c0_i32_2 : i32, i32, i32, i32
  }
  func.func @transform_2(%arg0: i32) -> (i32, i32, i32, i32) {
    %add3A = arith.constant 32 : i32
    %add3A_0 = arith.addi %add3A, %arg0 : i32
    %c0_i32 = arith.constant 0 : i32
    %c0_i32_1 = arith.constant 0 : i32
    %c0_i32_2 = arith.constant 0 : i32
    %c0_i32_3 = arith.constant 0 : i32
    return %c0_i32, %add3A_0, %c0_i32_1, %c0_i32_2 : i32, i32, i32, i32
  }
  func.func @transform_3(%arg0: i32) -> (i32, i32, i32, i32) {
    %add3A = arith.constant 16 : i32
    %add3A_0 = arith.addi %add3A, %arg0 : i32
    %c0_i32 = arith.constant 0 : i32
    %c0_i32_1 = arith.constant 0 : i32
    %c0_i32_2 = arith.constant 0 : i32
    %c0_i32_3 = arith.constant 0 : i32
    return %c0_i32, %add3A_0, %c0_i32_1, %c0_i32_2 : i32, i32, i32, i32
  }
  func.func @transform_4(%arg0: i32) -> (i32, i32, i32, i32) {
    %add3A = arith.constant 32 : i32
    %add3A_0 = arith.addi %add3A, %arg0 : i32
    %c0_i32 = arith.constant 0 : i32
    %c0_i32_1 = arith.constant 0 : i32
    %c0_i32_2 = arith.constant 0 : i32
    %c0_i32_3 = arith.constant 0 : i32
    return %c0_i32, %add3A_0, %c0_i32_1, %c0_i32_2 : i32, i32, i32, i32
  }
  func.func @transform_5(%arg0: i32) -> (i32, i32) {
    %c0_i32 = arith.constant 0 : i32
    %c0_i32_0 = arith.constant 0 : i32
    %c0_i32_1 = arith.constant 0 : i32
    return %c0_i32, %c0_i32_0 : i32, i32
  }
  func.func @transform_6(%arg0: i32) -> (i32, i32) {
    %c0_i32 = arith.constant 0 : i32
    %c0_i32_0 = arith.constant 0 : i32
    return %arg0, %c0_i32 : i32, i32
  }
  func.func @transform_7(%arg0: i32) -> (i32, i32) {
    %c0_i32 = arith.constant 0 : i32
    %c0_i32_0 = arith.constant 0 : i32
    %c0_i32_1 = arith.constant 0 : i32
    return %c0_i32, %c0_i32_0 : i32, i32
  }
  func.func @transform_8(%arg0: i32) -> (i32, i32) {
    %c0_i32 = arith.constant 0 : i32
    %c0_i32_0 = arith.constant 0 : i32
    %c0_i32_1 = arith.constant 0 : i32
    return %c0_i32, %c0_i32_0 : i32, i32
  }
}

</mosaic_0001>

<sc_bundles>
// kernel: branch_1_fun.4.cloned.1.call-start
scs
__scs_entry_jumppad:
0x0: {  	(pc) =	sbr.rel $0x88, $3  }
0x1: {  	(tag) =	ssettag $0x0;
	lr =	simm.s32 $0x1  }
0x2: {  	[smem:$0x3F97] =	sst lr;
	_ =	strace $0xD0000000  }
0x3: {  	_ = 	snop  }
0x4: {  	_ = 	snop  }
0x5: {  	_ = 	snop  }
0x6: {  	_ = 	snop  }
0x7: {  	_ = 	snop  }
__scs_overlays_trampoline_lowered:
0x8: {  	[smem:$0x3FA6] =	sst s0  }
0x9: {  	[smem:$0x3FA7] =	sst s1  }
0xa: {  	[smem:$0x3FA8] =	sst s2  }
0xb: {  	[smem:$0x3FA9] =	sst s3  }
0xc: {  	[smem:$0x3FAA] =	sst s4  }
0xd: {  	[smem:$0x3FAB] =	sst s5  }
0xe: {  	[smem:$0x3FAC] =	sst s6  }
0xf: {  	[smem:$0x3FAD] =	sst s7  }
0x10: {  	[smem:$0x3FAE] =	sst s8  }
0x11: {  	[smem:$0x3FAF] =	sst s9;
	s0 =	simm.s32 @!p0 $0x0  }
0x12: {  	s1 =	sld [smem:$0x3F95];
	s0 =	simm.s32 @p0 $0x1  }
0x13: {  	[smem:$0x3FB0] =	sst s0;
	s0 =	simm.s32 @!p1 $0x0  }
0x14: {  	s2 =	sld [smem:$0x3F94];
	s0 =	simm.s32 @p1 $0x1  }
0x15: {  	[smem:$0x3FB1] =	sst s0;
	s0 =	simm.s32 @!p2 $0x0  }
0x16: {  	s3 =	sld [smem:$0x3FDB];
	s0 =	simm.s32 @p2 $0x1  }
0x17: {  	s4 =	simm.s32 $0x1BF5;
	[smem:$0x3FB3] =	sst s0  }
0x18: {  	s0 =	sld [smem:$0x3F96];
	_ =	swait.ge [sflag:s4], $0x0  }
0x19: {  	s7 =	sld [smem:$0x3F97]  }
0x1a: {  	s8 =	sadd.s32 $0xFFFFE003, lr  }
0x1b: {  	s9 =	sadd.s32 $0xFFFFFEF7, lr;
	s5 =	simm.s32 $0xFFFFFFFF;
	p2 =	slt.u32 s8, $0xFFFFF086  }
0x1c: {  	p1 =	slt.u32 s9, $0xF7A;
	s5 =	simm.s32 @!p2 $0x0  }
0x1d: {  	s5 =	simm.s32 @p1 $0x1;
	p0 =	seq.s32 s7, s2  }
0x1e: {  	s7 =	smul.u32 @!p0 $0xF7A, s2;
	p2 =	seq.s32 @!p0 s5, $0x0  }
0x1f: {  	s9 =	smul.u32 $0xF7A, s1;
	s8 =	simm.s32 @!p0 $0x1BF5;
	p2 =	por !p2, p0  }
0x20: {  	[sflag:s8] =	ssyncset.s32 @!p0 $0xFFFFF086;
	s6 =	sadd.s32 @!p0 s3, s7;
	s7 =	simm.s32 @!p0 $0x108  }
0x21: {  	s3 =	sadd.s32 s3, s9;
	s6 =	sadd.s32 @!p0 $0x88, s6;
	s7 =	simm.s32 @p2 $0x1082  }
0x22: {  	[simem:s7], [sflag:s8] =	dma.local @!p0 [hbm:s6], $0xF7A  }
0x23: {  	s9 =	sor.u32 $0xD0000000, s2;
	s6 =	simm.s32 $0x108;
	_ =	swait.ge @!p0 [sflag:s8], $0x0  }
0x24: {  	s3 =	sadd.s32 $0x88, s3;
	s6 =	simm.s32 @!p1 $0x1082;
	[sflag:s4] =	ssyncset.s32 $0xFFFFF086  }
0x25: {  	[simem:s6], [sflag:s4] =	dma.local [hbm:s3], $0xF7A  }
0x26: {  	[smem:$0x3F97] =	sst s1;
	(tag) =	ssettag s2;
	_ =	strace s9  }
0x27: {  	s1 =	sld [smem:$0x3FA7]  }
0x28: {  	s2 =	sld [smem:$0x3FA8]  }
0x29: {  	s4 =	sld [smem:$0x3FAA]  }
0x2a: {  	p0 =	seq.s32 s5, $0x0;
	s5 =	sld [smem:$0x3FAB]  }
0x2b: {  	s6 =	sld [smem:$0x3FAC]  }
0x2c: {  	s7 =	sld [smem:$0x3FAD]  }
0x2d: {  	s3 =	simm.s32 $0x108;
	s8 =	sld [smem:$0x3FAE]  }
0x2e: {  	s3 =	simm.s32 @!p0 $0x1082;
	s9 =	sld [smem:$0x3FAF]  }
0x2f: {  	lr =	sadd.s32 s0, s3;
	s0 =	sld [smem:$0x3FA6]  }
0x30: {  	s3 =	sld [smem:$0x3FA9]  }
0x31: {  	[smem:$0x3FB2] =	sst s10  }
0x32: {  	s10 =	sld [smem:$0x3FB0];
	_ =	sdelay $0x3  }
0x33: {  	p0 =	seq.s32 s10, $0x1;
	s10 =	sld [smem:$0x3FB2];
	_ =	sdelay $0x3  }
0x34: {  	[smem:$0x3FB2] =	sst s10  }
0x35: {  	s10 =	sld [smem:$0x3FB1];
	_ =	sdelay $0x3  }
0x36: {  	p1 =	seq.s32 s10, $0x1;
	s10 =	sld [smem:$0x3FB2];
	_ =	sdelay $0x3  }
0x37: {  	[smem:$0x3FB2] =	sst s10  }
0x38: {  	s10 =	sld [smem:$0x3FB3]  }
0x39: {  	_ = 	snop;
	(pc) =	sbr.ind lr, $3  }
0x3a: {  	_ = 	snop  }
0x3b: {  	_ = 	snop  }
0x3c: {  	p2 =	seq.s32 s10, $0x1;
	s10 =	sld [smem:$0x3FB2]  }
0x3d: {  	_ =	shalt  }
0x3e: {  	_ =	shalt  }
0x3f: {  	_ =	shalt  }
0x40: {  	_ =	shalt  }
0x41: {  	_ =	shalt  }
0x42: {  	_ =	shalt  }
0x43: {  	_ =	shalt  }
0x44: {  	_ =	shalt  }
0x45: {  	_ =	shalt  }
0x46: {  	_ =	shalt  }
0x47: {  	_ =	shalt  }
0x48: {  	_ =	shalt  }
0x49: {  	_ =	shalt  }
0x4a: {  	_ =	shalt  }
0x4b: {  	_ =	shalt  }
0x4c: {  	_ =	shalt  }
0x4d: {  	_ =	shalt  }
0x4e: {  	_ =	shalt  }
0x4f: {  	_ =	shalt  }
0x50: {  	_ =	shalt  }
0x51: {  	_ =	shalt  }
0x52: {  	_ =	shalt  }
0x53: {  	_ =	shalt  }
0x54: {  	_ =	shalt  }
0x55: {  	_ =	shalt  }
0x56: {  	_ =	shalt  }
0x57: {  	_ =	shalt  }
0x58: {  	_ =	shalt  }
0x59: {  	_ =	shalt  }
0x5a: {  	_ =	shalt  }
0x5b: {  	_ =	shalt  }
0x5c: {  	_ =	shalt  }
0x5d: {  	_ =	shalt  }
0x5e: {  	_ =	shalt  }
0x5f: {  	_ =	shalt  }
0x60: {  	_ =	shalt  }
0x61: {  	_ =	shalt  }
0x62: {  	_ =	shalt  }
0x63: {  	_ =	shalt  }
0x64: {  	_ =	shalt  }
0x65: {  	_ =	shalt  }
0x66: {  	_ =	shalt  }
0x67: {  	_ =	shalt  }
0x68: {  	_ =	shalt  }
0x69: {  	_ =	shalt  }
0x6a: {  	_ =	shalt  }
0x6b: {  	_ =	shalt  }
0x6c: {  	_ =	shalt  }
0x6d: {  	_ =	shalt  }
0x6e: {  	_ =	shalt  }
0x6f: {  	_ =	shalt  }
0x70: {  	_ =	shalt  }
0x71: {  	_ =	shalt  }
0x72: {  	_ =	shalt  }
0x73: {  	_ =	shalt  }
0x74: {  	_ =	shalt  }
0x75: {  	_ =	shalt  }
0x76: {  	_ =	shalt  }
0x77: {  	_ =	shalt  }
0x78: {  	_ =	shalt  }
0x79: {  	_ =	shalt  }
0x7a: {  	_ =	shalt  }
0x7b: {  	_ =	shalt  }
0x7c: {  	_ =	shalt  }
0x7d: {  	_ =	shalt  }
0x7e: {  	_ =	shalt  }
0x7f: {  	_ =	shalt  }
0x80: {  	_ =	shalt  }
0x81: {  	_ =	shalt  }
0x82: {  	_ =	shalt  }
0x83: {  	_ =	shalt  }
0x84: {  	_ =	shalt  }
0x85: {  	_ =	shalt  }
0x86: {  	_ =	shalt  }
0x87: {  	_ =	shalt  }
.Lfunc_end0:
.L_simem_size_0:
called_computation_lowered:
.L_overlay_start_0:
0x88: {  	s2 =	sld [smem:$0x3FD9]  }
0x89: {  	s3 =	sld [smem:$0x3FFE];
	_ =	sdelay $0x1  }
0x8a: {  	s1 =	srdreg.scid  }
0x8b: {  	s0 =	sand.u32 $0x1, s1  }
0x8c: {  	s17 =	sshll.u32 s0, $0xA;
	s2 =	sadd.s32 s3, s2  }
0x8d: {  	s2 =	sadd.s32 s2, s17  }
0x8e: {  	[smem:$0x3FBE] =	sst s2  }
0x8f: {  	_ = 	snop  }
0x90: {  	s2 =	sld [smem:$0x3FD0];
	(tm) =	ssettm $0x1  }
0x91: {  	s18 =	sld [smem:$0x3FFB];
	_ =	sdelay $0x3  }
0x92: {  	_ =	strace s18  }
0x93: {  	s3 =	sld [smem:$0x3FFC];
	_ =	sdelay $0x3  }
0x94: {  	_ =	strace s3  }
0x95: {  	s3 =	sld [smem:$0x3FFD];
	_ =	sdelay $0x3  }
0x96: {  	_ =	strace s3  }
0x97: {  	_ =	strace $0x8FFFFFFF  }
0x98: {  	s19 =	sld [smem:$0x3FDB];
	_ =	sdelay $0x1  }
0x99: {  	s4 =	simm.s32 $_scs_section_size  }
0x9a: {  	s5 =	simm.s32 $_size__tile_overlayer_lowered;
	s6 =	simm.s32 $_tile_overlayer_lowered  }
0x9b: {  	s22 =	simm.s32 $0x1BFF;
	s21 =	sshll.u32 s6, $0x1;
	s3 =	sadd.s32 s4, s19  }
0x9c: {  	s7 =	simm.s32 $0x0;
	s20 =	sshll.u32 s5, $0x1;
	s5 =	sadd.s32 s21, s3  }
0x9d: {  	[timem:s7], [sflag:s22] =	dma.local [hbm:s5], s20  }
0x9e: {  	_ =	swait.ge [sflag:s22], s20  }
0x9f: {  	s4 =	ssub.s32 $0x0, s20;
	[sflag:s22] =	ssyncset.done $0x0  }
0xa0: {  	[sflag:s22] =	ssyncadd.s32 s4;
	_ =	sdelay $0x1  }
0xa1: {  	s23 =	simm.s32 $0x1B8B  }
0xa2: {  	_ =	swait.ge [sflag:s23], $0x1  }
0xa3: {  	[sflag:s23] =	ssyncset.done $0x0  }
0xa4: {  	s25 =	simm.s32 $0x1B8E;
	s24 =	sld [smem:$0x3FFE];
	[sflag:s23] =	ssyncadd.s32 $0xFFFFFFFF  }
0xa5: {  	s26 =	simm.s32 $execute0_lowered;
	[smem:$0x3FD2] =	sst s25  }
0xa6: {  	s5 =	sshll.u32 s26, $0x1;
	_ =	strace $0x80000046;
	[dreg:$0x1] =	wrdreg $0xFFFFFFFF  }
0xa7: {  	s28 =	simm.s32 $_size_execute0_lowered;
	s3 =	sadd.s32 s3, s5;
	[dreg:$0x0] =	wrdreg $0x0  }
0xa8: {  	s5 =	sshll.u32 s28, $0x1;
	[dreg:$0x2] =	wrdreg s3  }
0xa9: {  	[dreg:$0x3] =	wrdreg s5  }
0xaa: {  	[dreg:$0x4] =	wrdreg $0xC0  }
0xab: {  	_ =	task [dreg:s7], $0x5FFFF  }
0xac: {  	[dreg:$0x1] =	wrdreg $0xFFFFFFFF  }
0xad: {  	[dreg:$0x0] =	wrdreg $0x60  }
0xae: {  	[dreg:$0x2] =	wrdreg s24  }
0xaf: {  	[dreg:$0x3] =	wrdreg s2  }
0xb0: {  	[dreg:$0x4] =	wrdreg $0x9  }
0xb1: {  	_ =	task.clear_ibuf [dreg:s7], $0x5FFFF;
	_ =	strace $0x90000046  }
0xb2: {  	s29 =	simm.s32 $0x9;
	_ =	strace $0x80000048  }
0xb3: {  	_ =	swait.ge [sflag:s29], $0x1  }
0xb4: {  	[sflag:s29] =	ssyncadd.s32 $0xFFFFFFFF  }
0xb5: {  	_ =	strace $0x90000048  }
0xb6: {  	_ =	sfence  }
0xb7: {  	s30 =	sld [smem:$0x0];
	_ =	sdelay $0x2  }
0xb8: {  	s31 =	sshll.u32 s1, $0xD;
	s1 =	sshrl.u32 s1, $0x2  }
0xb9: {  	s3 =	sand.u32 $0x4000, s31;
	s1 =	sadd.s32 s1, s30  }
0xba: {  	s0 =	sor.u32 s3, s0;
	s1 =	sshll.u32 s1, $0x11  }
0xbb: {  	s0 =	sor.u32 s1, s0  }
0xbc: {  	s0 =	sadd.s32 $0x8F2B, s0  }
0xbd: {  	[sflag:s0] =	ssyncadd.remote.s32 $0x1  }
0xbe: {  	_ =	sfence.sel $0xFFFF  }
0xbf: {  	[dreg:$0x0] =	wrdreg $0xFFFFFFFF;
	(pc) =	sbr.abs _section_cstart, $3  }
0xc0: {  	[dreg:$0x1] =	wrdreg $0xFFFFFFFF  }
0xc1: {  	_ =	task.clear_ibuf [dreg:s7], $0x2FFFF;
	_ =	strace $0x9FFFFFFF  }
0xc2: {  	(tm) =	ssettm $0x7FFFFFFF  }
0xc3: {  	_ =	shalt  }
tec
execute0_lowered:
.L_overlay_start_1:
0x0: {  	(tag) =	ssettag $0x1  }
0x1: {  	s0 =	rddreg [dreg:$0x0]  }
0x2: {  	s1 =	rddreg [dreg:$0x1]  }
0x3: {  	s2 =	rddreg [dreg:$0x2];
	s4 =	srdreg.scid  }
0x4: {  	s3 =	simm.s32 $0x0;
	s5 =	stileid.u32;
	s31 =	sand.u32 $0x1, s4  }
0x5: {  	[smem:$0x7FF] =	sst s3;
	s4 =	sadd.s32 $0x800, s0;
	p0 =	seq.s32 s31, $0x1  }
0x6: {  	_ =	strace $0x80000047;
	s3 =	sadd.s32 @!p0 s4, s5;
	s4 =	simm.s32 @!p0 $0x0  }
0x7: {  	[tilespmem:s4], [sflag:$0x2] =	stream.linear.gather @!p0 [hbm4b:s3+s4], $0x8, $0x38;
	[tilespmem:$0x3080] =	vst v63  }
0x8: {  	s3 =	simm.s32 @!p0 $0x2  }
0x9: {  	_ =	swait.ge @!p0 [sflag:s3], $0x8  }
0xa: {  	[sflag:s3] =	ssyncset.done @!p0 $0x0  }
0xb: {  	[sflag:s3] =	ssyncadd.s32 @!p0 $0xFFFFFFF8  }
0xc: {  	v0 =	vld.msk @!p0 [tilespmem:$0x0], $0xff;
	_ =	sdelay $0x4  }
0xd: {  	v1 =	vshrl.u32 @!p0 v0, $0x3  }
0xe: {  	v1 =	vmul.u32 @!p0 $0x60, v1  }
0xf: {  	v2 =	vlaneseq.u32 @!p0;
	v0 =	vand.u32 @!p0 $0x7, v0  }
0x10: {  	v0 =	vor.u32 @!p0 v0, v1;
	v1 =	vand.u32 @!p0 $0x7, v2;
	v2 =	vshrl.u32 @!p0 v2, $0x3  }
0x11: {  	v0 =	vperm.xlane @!p0 v0, v1;
	v1 =	vmul.u32 @!p0 $0x8, v2;
	_ =	sdelay $0x1  }
0x12: {  	v0 =	vadd.s32 @!p0 v1, v0;
	_ =	sdelay $0x3  }
0x13: {  	s0 =	sadd.s32 $0xA00, s0;
	vm0 =	vmmov @!p0 $0xffff;
	s6 =	simm.s32 @!p0 $0x80  }
0x14: {  	[tilespmem:s6], [sflag:$0x1] =	stream.indirect_vreg.gather @!p0 [hbm4b:s0+s4], $0x80, v0, vm0, $0xb8;
	[tilespmem:$0x3080] =	vst v63  }
0x15: {  	s7 =	sadd.s32 @!p0 $0x100, s0;
	s8 =	simm.s32 @!p0 $0x880  }
0x16: {  	[tilespmem:s8], [sflag:$0x1] =	stream.indirect_vreg.gather @!p0 [hbm4b:s7+s4], $0x80, v0, vm0, $0xb8;
	[tilespmem:$0x3080] =	vst v63  }
0x17: {  	s7 =	sadd.s32 @!p0 $0x200, s0;
	s8 =	simm.s32 @!p0 $0x1080  }
0x18: {  	[tilespmem:s8], [sflag:$0x1] =	stream.indirect_vreg.gather @!p0 [hbm4b:s7+s4], $0x80, v0, vm0, $0xb8;
	[tilespmem:$0x3080] =	vst v63  }
0x19: {  	s7 =	sadd.s32 @!p0 $0x300, s0;
	s8 =	simm.s32 @!p0 $0x1880  }
0x1a: {  	[tilespmem:s8], [sflag:$0x1] =	stream.indirect_vreg.gather @!p0 [hbm4b:s7+s4], $0x80, v0, vm0, $0xb8;
	[tilespmem:$0x3080] =	vst v63  }
0x1b: {  	s7 =	sadd.s32 @!p0 $0x400, s0;
	s8 =	simm.s32 @!p0 $0x2080  }
0x1c: {  	[tilespmem:s8], [sflag:$0x1] =	stream.indirect_vreg.gather @!p0 [hbm4b:s7+s4], $0x80, v0, vm0, $0xb8;
	[tilespmem:$0x3080] =	vst v63  }
0x1d: {  	s0 =	sadd.s32 @!p0 $0x500, s0;
	s7 =	simm.s32 @!p0 $0x2880  }
0x1e: {  	[tilespmem:s7], [sflag:$0x1] =	stream.indirect_vreg.gather @!p0 [hbm4b:s0+s4], $0x80, v0, vm0, $0xb8;
	[tilespmem:$0x3080] =	vst v63  }
0x1f: {  	s0 =	simm.s32 @!p0 $0x1  }
0x20: {  	s7 =	smul.u32 @!p0 $0x600, s5;
	_ =	swait.ge @!p0 [sflag:s0], $0x3000  }
0x21: {  	[sflag:s0] =	ssyncset.done @!p0 $0x0  }
0x22: {  	s1 =	sadd.s32 @!p0 s1, s7;
	[sflag:s0] =	ssyncadd.s32 @!p0 $0xFFFFD000  }
0x23: {  	[hbm4b:s1+s4] =	stream.linear.scatter @!p0 [tilespmem:s6], [sflag:$0x2], $0x3000, $0x38;
	[tilespmem:$0x3080] =	vst v63  }
0x24: {  	_ =	swait.ge @!p0 [sflag:s3], $0x3000  }
0x25: {  	[sflag:s3] =	ssyncset.done @!p0 $0x0  }
0x26: {  	[sflag:s3] =	ssyncadd.s32 @!p0 $0xFFFFD000  }
0x27: {  	_ =	sfence.sel $0x180000  }
0x28: {  	[bflag:$0x0] =	sbarrier.arrive $0xFFFF  }
0x29: {  	p0 =	sne.s32 s5, $0x0;
	_ =	strace $0x90000047  }
0x2a: {  	s0 =	sadd.s32 @!p0 $0x100000, s2;
	[bflag:$0x2] =	sbarrier.arrive $0xFFFF  }
0x2b: {  	[sflag:s0] =	ssyncadd.tile.s32 @!p0 $0x1;
	_ =	shalt  }
.Lfunc_end2:
_tile_overlayer_lowered:
.L_overlay_start_2:
0x2c: {  	(tag) =	ssettag $0x2  }
0x2d: {  	s0 =	rddreg [dreg:$0x0];
	s2 =	stileid.u32  }
0x2e: {  	s1 =	rddreg [dreg:$0x1];
	p0 =	sne.s32 s2, $0x0  }
0x2f: {  	s3 =	rddreg [dreg:$0x2];
	[bflag:$0x3] =	sbarrier.arrive $0xFFFF;
	s2 =	simm.s32 @!p0 $0x1C02  }
0x30: {  	[timem:s3], [sflag:s2] =	dma.local @!p0 [hbm:s0], s1  }
0x31: {  	s0 =	simm.s32 @!p0 $0x2  }
0x32: {  	_ =	swait.ge @!p0 [sflag:s0], s1  }
0x33: {  	s1 =	ssub.s32 @!p0 $0x0, s1;
	[sflag:s0] =	ssyncset.done @!p0 $0x0  }
0x34: {  	[sflag:s0] =	ssyncadd.s32 @!p0 s1  }
0x35: {  	[bflag:$0x3] =	sbarrier.arrive $0xFFFF  }
0x36: {  	_ =	shalt  }

</sc_bundles>
